<compile_context>
chip_gen: v7x
topology: tpu7x:2x2x1
jax: 0.10.2.dev20260603
libtpu: 0.0.44.dev20260713+nightly
codegen_flags: <defaults>
</compile_context>

<pallas_src>
import jax
import jax.numpy as jnp
from jax.experimental import pallas as pl
from jax.experimental.pallas import tpu as pltpu
from jax.experimental.pallas import tpu_sc as plsc

N_L = 2048
N_ORIG = 8192
F_L = 256
C_ORIG = 128
H1 = 512
H2 = 512
H3 = 256

QT = 512
HB = 8
QA = 512
GW = 128



def _top3_kernel(qc_ref, kc_ref, idx_ref, w_ref):
    q = qc_ref[...]
    D = None
    for c in range(3):
        d = q[:, c][:, None] - kc_ref[c, :][None, :]
        D = d * d if D is None else D + d * d
    iota_f = jax.lax.broadcasted_iota(jnp.int32, D.shape, 1).astype(jnp.float32)
    ms, idxs = [], []
    Dm = D
    for k in range(3):
        m = jnp.min(Dm, axis=1)
        eq = Dm == m[:, None]
        i_f = jnp.min(jnp.where(eq, iota_f, jnp.float32(N_L)), axis=1)
        ms.append(m)
        idxs.append(i_f)
        if k < 2:
            Dm = jnp.where(eq, jnp.float32(3.0e38), Dm)
    w = [1.0 / jnp.maximum(m, jnp.float32(1e-12)) for m in ms]
    wsum = w[0] + w[1] + w[2]
    for k in range(3):
        w_ref[:, k] = w[k] / wsum
    imat = jnp.stack(idxs + idxs[:1], axis=1)
    idx_ref[...] = jnp.transpose(imat).astype(jnp.int32)


def _top3(coords_orig, coords_l_pad, n):
    return pl.pallas_call(
        _top3_kernel,
        grid=(n // QT,),
        in_specs=[
            pl.BlockSpec((QT, 3), lambda i: (i, 0)),
            pl.BlockSpec((8, N_L), lambda i: (0, 0)),
        ],
        out_specs=[
            pl.BlockSpec((4, QT), lambda i: (0, i)),
            pl.BlockSpec((QT, 8), lambda i: (i, 0)),
        ],
        out_shape=[
            jax.ShapeDtypeStruct((4, n), jnp.int32),
            jax.ShapeDtypeStruct((n, 8), jnp.float32),
        ],
    )(coords_orig, coords_l_pad)



def _sc_gather(table, idx_flat, n):
    mesh = plsc.VectorSubcoreMesh(core_axis_name="c", subcore_axis_name="s")

    @pl.kernel(out_type=jax.ShapeDtypeStruct((n, F_L), jnp.float32), mesh=mesh)
    def _gather(table_hbm, idx_hbm, out_hbm):
        def body(i_vmem, o_vmem):
            pltpu.sync_copy(table_hbm.at[i_vmem.at[0]], o_vmem)

        pltpu.emit_pipeline(
            body,
            grid=(n // GW,),
            in_specs=[pl.BlockSpec((1, GW), index_map=lambda i: (0, i))],
            out_specs=[pl.BlockSpec((GW, F_L), index_map=lambda i: (i, 0))],
            core_axis_name=("c", "s"),
            dimension_semantics=(pltpu.PARALLEL,),
        )(idx_hbm, out_hbm)

    return _gather(table, idx_flat)



def _mlp_kernel(ga_ref, gb_ref, wa_ref, wb_ref, qc_ref, fo_ref, w0p_ref,
                b0_ref, w1_ref, b1_ref, w2_ref, b2_ref,
                g0_ref, be0_ref, g1_ref, be1_ref,
                out_ref, y_scr, interp_scr, st1, st2, ss1, ss2):
    p = pl.program_id(0)
    i = pl.program_id(1)
    rows = pl.ds(i * QA, QA)
    inv_n = 1.0 / N_ORIG

    @pl.when(p == 0)
    def _():
        @pl.when(i == 0)
        def _():
            st1[...] = jnp.zeros_like(st1)

        @pl.when(i < HB)
        def _():
            interp_scr[...] = (wa_ref[:, 0:1] * ga_ref[0]
                               + wa_ref[:, 1:2] * ga_ref[1]
                               + wa_ref[:, 2:3] * ga_ref[2])

        @pl.when(i >= HB)
        def _():
            interp_scr[...] = (wb_ref[:, 0:1] * gb_ref[0]
                               + wb_ref[:, 1:2] * gb_ref[1]
                               + wb_ref[:, 2:3] * gb_ref[2])

        interp = interp_scr[...]
        x = jnp.concatenate(
            [interp, fo_ref[...], qc_ref[...],
             jnp.zeros((QA, 125), jnp.float32)], axis=1)
        bf = jnp.bfloat16
        y = jax.lax.dot_general(x.astype(bf), w0p_ref[...].astype(bf),
                                (((1,), (1,)), ((), ())),
                                preferred_element_type=jnp.float32)
        y = y + b0_ref[...]
        y_scr[rows, :] = y
        st1[0:1, :] += jnp.sum(y, axis=0)[None, :]
        st1[1:2, :] += jnp.sum(y * y, axis=0)[None, :]

    @pl.when(p == 1)
    def _():
        @pl.when(i == 0)
        def _():
            mean = st1[0:1, :] * inv_n
            var = st1[1:2, :] * inv_n - mean * mean
            scale = g0_ref[...] * jax.lax.rsqrt(var + 1e-5)
            ss1[0:1, :] = scale
            ss1[1:2, :] = be0_ref[...] - mean * scale
            st2[...] = jnp.zeros_like(st2)

        z = jnp.maximum(y_scr[rows, :] * ss1[0:1, :] + ss1[1:2, :], 0.0)
        bf = jnp.bfloat16
        y = jax.lax.dot_general(z.astype(bf), w1_ref[...].astype(bf),
                                (((1,), (1,)), ((), ())),
                                preferred_element_type=jnp.float32)
        y = y + b1_ref[...]
        y_scr[rows, :] = y
        st2[0:1, :] += jnp.sum(y, axis=0)[None, :]
        st2[1:2, :] += jnp.sum(y * y, axis=0)[None, :]

    @pl.when(p == 2)
    def _():
        @pl.when(i == 0)
        def _():
            mean = st2[0:1, :] * inv_n
            var = st2[1:2, :] * inv_n - mean * mean
            scale = g1_ref[...] * jax.lax.rsqrt(var + 1e-5)
            ss2[0:1, :] = scale
            ss2[1:2, :] = be1_ref[...] - mean * scale

        z = jnp.maximum(y_scr[rows, :] * ss2[0:1, :] + ss2[1:2, :], 0.0)
        bf = jnp.bfloat16
        out_ref[...] = (jax.lax.dot_general(
            z.astype(bf), w2_ref[...].astype(bf),
            (((1,), (1,)), ((), ())),
            preferred_element_type=jnp.float32) + b2_ref[...])


def kernel(coords_l, feats_l, coords_orig, feats_orig,
           W0, b0, W1, b1, W2, b2,
           gamma0, beta0, gamma1, beta1):
    coords_l_pad = jnp.zeros((8, N_L), jnp.float32).at[:3].set(coords_l.T)
    w0p = jnp.concatenate(
        [W0[:, 3 + C_ORIG:], W0[:, 3:3 + C_ORIG], W0[:, :3],
         jnp.zeros((H1, 125), jnp.float32)], axis=1)

    nh = N_ORIG // 2
    idx_a, w_a = _top3(coords_orig[:nh], coords_l_pad, nh)
    g_a = _sc_gather(feats_l, idx_a.reshape(1, 4 * nh), 3 * nh)
    idx_b, w_b = _top3(coords_orig[nh:], coords_l_pad, nh)
    g_b = _sc_gather(feats_l, idx_b.reshape(1, 4 * nh), 3 * nh)
    ga = g_a.reshape(3, nh, F_L)
    gb = g_b.reshape(3, nh, F_L)

    nb = N_ORIG // QA
    hb = nb // 2
    cspec = lambda r, c: pl.BlockSpec((r, c), lambda p, i: (0, 0))
    out = pl.pallas_call(
        _mlp_kernel,
        grid=(3, nb),
        in_specs=[
            pl.BlockSpec((3, QA, F_L),
                         lambda p, i: (0, jnp.where(p == 0,
                                                    jnp.minimum(i, hb - 1), 0), 0)),
            pl.BlockSpec((3, QA, F_L),
                         lambda p, i: (0, jnp.where(p == 0,
                                                    jnp.maximum(i - hb, 0), 0), 0)),
            pl.BlockSpec((QA, 8),
                         lambda p, i: (jnp.where(p == 0,
                                                 jnp.minimum(i, hb - 1), 0), 0)),
            pl.BlockSpec((QA, 8),
                         lambda p, i: (jnp.where(p == 0,
                                                 jnp.maximum(i - hb, 0), 0), 0)),
            pl.BlockSpec((QA, 3), lambda p, i: (jnp.where(p == 0, i, 0), 0)),
            pl.BlockSpec((QA, C_ORIG),
                         lambda p, i: (jnp.where(p == 0, i, 0), 0)),
            cspec(H1, 512),
            cspec(1, H1),
            cspec(H2, H1),
            cspec(1, H2),
            cspec(H3, H2),
            cspec(1, H3),
            cspec(1, H1),
            cspec(1, H1),
            cspec(1, H2),
            cspec(1, H2),
        ],
        out_specs=pl.BlockSpec((QA, H3),
                               lambda p, i: (jnp.where(p == 2, i, 0), 0)),
        out_shape=jax.ShapeDtypeStruct((N_ORIG, H3), jnp.float32),
        scratch_shapes=[
            pltpu.VMEM((N_ORIG, H1), jnp.float32),
            pltpu.VMEM((QA, F_L), jnp.float32),
            pltpu.VMEM((8, H1), jnp.float32),
            pltpu.VMEM((8, H2), jnp.float32),
            pltpu.VMEM((8, H1), jnp.float32),
            pltpu.VMEM((8, H2), jnp.float32),
        ],
    )(ga, gb, w_a, w_b, coords_orig, feats_orig, w0p, b0[None, :],
      W1, b1[None, :], W2, b2[None, :],
      gamma0[None, :], beta0[None, :], gamma1[None, :], beta1[None, :])
    return out

# --- scband reference (transcript-rebuilt; emitter-appended) ---
"""Pipeline reference for scband-feature-propagation-9998683865705 (READ-ONLY COPY).

The authoritative reference and input builder live on the scoring server;
editing this copy changes nothing except your own understanding.
"""

import jax, jax.numpy as jnp
import numpy as np

N_L = 2048
N_ORIG = 8192
F_L = 256
C_ORIG = 128
LAYERS = [512, 512, 256]
IN_CH = 3 + C_ORIG + F_L  # 387


def setup_inputs(seed: int = 0) -> dict:
    key = jax.random.key(seed)
    ks = jax.random.split(key, 16)
    inp = {}
    inp["coords_l"] = jax.random.normal(ks[0], (N_L, 3), dtype=jnp.float32)
    inp["feats_l"] = jax.random.normal(ks[1], (N_L, F_L), dtype=jnp.float32)
    inp["coords_orig"] = jax.random.normal(ks[2], (N_ORIG, 3), dtype=jnp.float32)
    inp["feats_orig"] = jax.random.normal(ks[3], (N_ORIG, C_ORIG), dtype=jnp.float32)
    dims = [IN_CH] + LAYERS
    ki = 4
    for li in range(3):
        bound = 1.0 / np.sqrt(dims[li])
        inp[f"W{li}"] = jax.random.uniform(ks[ki], (dims[li + 1], dims[li]), minval=-bound, maxval=bound, dtype=jnp.float32); ki += 1
        inp[f"b{li}"] = jax.random.uniform(ks[ki], (dims[li + 1],), minval=-bound, maxval=bound, dtype=jnp.float32); ki += 1
    for li in range(2):
        inp[f"gamma{li}"] = jnp.ones((dims[li + 1],), dtype=jnp.float32)
        inp[f"beta{li}"] = jnp.zeros((dims[li + 1],), dtype=jnp.float32)
    return inp


def _point_feature_propagation(coords_l, feats_l, coords_orig, p=2, k=3):
    # original code detaches coords/features before interpolation
    coords_l = jax.lax.stop_gradient(coords_l)
    feats_l = jax.lax.stop_gradient(feats_l)
    coords_orig = jax.lax.stop_gradient(coords_orig)
    k = min(coords_l.shape[0], k)
    diff = coords_l[None, :, :] - coords_orig[:, None, :]   # [N_orig, N_l, 3]
    dist = jnp.linalg.norm(diff, axis=2)                    # [N_orig, N_l]
    sorted_idx = jnp.argsort(dist, axis=1)
    sorted_dist = jnp.sort(dist, axis=1)
    threshold = 1e-06
    sorted_dist = jnp.where(sorted_dist < threshold, threshold, sorted_dist)
    w = sorted_dist[:, :k] ** (-p)                          # [N_orig, k]
    w_sum = jnp.sum(w, axis=1)                              # [N_orig]
    selected = feats_l[sorted_idx[:, :k]]                   # gather: [N_orig, k, F]
    weighted = jnp.sum(selected * w[:, :, None], axis=1)    # [N_orig, F]
    return weighted / w_sum[:, None]


def _bn_train(x, gamma, beta, eps=1e-5):
    mean = jnp.mean(x, axis=0)
    var = jnp.var(x, axis=0)
    xn = (x - mean) / jnp.sqrt(var + eps)
    return xn * gamma + beta


def reference(coords_l, feats_l, coords_orig, feats_orig,
              W0, b0, W1, b1, W2, b2,
              gamma0, beta0, gamma1, beta1):
    interp = _point_feature_propagation(coords_l, feats_l, coords_orig, p=2, k=3)
    feats_new = jnp.concatenate([feats_orig, interp], axis=1)      # [N_orig, 384]
    x = jnp.concatenate([coords_orig, feats_new], axis=1)          # [N_orig, 387]
    x = x @ W0.T + b0
    x = jax.nn.relu(_bn_train(x, gamma0, beta0))
    x = x @ W1.T + b1
    x = jax.nn.relu(_bn_train(x, gamma1, beta1))
    x = x @ W2.T + b2   # last=True: final layer is plain Linear
    return x

if __name__ == "__main__":
    import jax
    _d = setup_inputs()
    print(jax.jit(kernel)(*tuple(_d.values())))

</pallas_src>

<mosaic_0001>
#map = affine_map<(d0, d1) -> (0, 0)>
module attributes {stable_mosaic.version = 14 : i64} {
  func.func @_gather(%arg0: i32, %arg1: i32, %arg2: memref<2048x256xf32, #tpu.memory_space<hbm>>, %arg3: memref<1x16384xi32, #tpu.memory_space<hbm>>, %arg4: memref<12288x256xf32, #tpu.memory_space<hbm>>) attributes {dimension_semantics = [#tpu.dimension_semantics<core_parallel>, #tpu.dimension_semantics<subcore_parallel>], iteration_bounds = array<i64: 2, 16>, scalar_prefetch = 0 : i64, scratch_operands = 0 : i64, tpu.core_type = #tpu.core_type<sc_vector_subcore>, window_params = [{transform_indices = #map}, {transform_indices = #map}, {transform_indices = #map}]} {
    %mul3A = arith.constant 1 : i32
    %mul3A_0 = arith.muli %arg1, %mul3A : i32
    %add3A = arith.constant 0 : i32
    %add3A_1 = arith.addi %add3A, %mul3A_0 : i32
    %mul3A_2 = arith.constant 16 : i32
    %mul3A_3 = arith.muli %arg0, %mul3A_2 : i32
    %add3A_4 = arith.addi %add3A_1, %mul3A_3 : i32
    %mul3A_5 = arith.constant 3 : i32
    %mul3A_6 = arith.muli %add3A_4, %mul3A_5 : i32
    "tpu.region"() ({
      %run_scoped3A = memref.alloca() : memref<2x1x128xi32, #tpu.memory_space<vmem>>
      %run_scoped3A_7 = tpu.sem_alloc : memref<2x!tpu.dma_semaphore, #tpu.memory_space<semaphore_mem>>
      %run_scoped3A_8 = memref.alloca() : memref<2x128x256xf32, #tpu.memory_space<vmem>>
      %run_scoped3A_9 = tpu.sem_alloc : memref<2x!tpu.dma_semaphore, #tpu.memory_space<semaphore_mem>>
      %add3A_10 = arith.constant 0 : i32
      %add3A_11 = arith.addi %add3A_10, %mul3A_6 : i32
      %select_n3A = arith.constant true
      %select_n3A_12 = arith.constant 0 : i32
      %select_n3A_13 = arith.constant -1 : i32
      %select_n3A_14 = arith.select %select_n3A, %select_n3A_13, %select_n3A_12 : i32
      %eq3A = arith.constant -1 : i32
      %eq3A_15 = arith.cmpi eq, %select_n3A_14, %eq3A : i32
      %select_n3A_16 = arith.constant 2 : i32
      %select_n3A_17 = arith.select %eq3A_15, %select_n3A_16, %select_n3A_14 : i32
      %add3A_18 = arith.addi %select_n3A_17, %mul3A_6 : i32
      %select_n3A_19 = arith.constant true
      %select_n3A_20 = arith.constant 0 : i32
      %select_n3A_21 = arith.constant 1 : i32
      %select_n3A_22 = arith.select %select_n3A_19, %select_n3A_21, %select_n3A_20 : i32
      %eq3A_23 = arith.constant 3 : i32
      %eq3A_24 = arith.cmpi eq, %select_n3A_22, %eq3A_23 : i32
      %select_n3A_25 = arith.constant 0 : i32
      %select_n3A_26 = arith.select %eq3A_24, %select_n3A_25, %select_n3A_22 : i32
      %add3A_27 = arith.addi %select_n3A_26, %mul3A_6 : i32
      %add3A_28 = arith.constant 1 : i32
      %add3A_29 = arith.addi %select_n3A_26, %add3A_28 : i32
      %select_n3A_30 = arith.constant true
      %select_n3A_31 = arith.select %select_n3A_30, %add3A_29, %select_n3A_26 : i32
      %eq3A_32 = arith.constant 3 : i32
      %eq3A_33 = arith.cmpi eq, %select_n3A_31, %eq3A_32 : i32
      %select_n3A_34 = arith.constant 0 : i32
      %select_n3A_35 = arith.select %eq3A_33, %select_n3A_34, %select_n3A_31 : i32
      %add3A_36 = arith.addi %select_n3A_35, %mul3A_6 : i32
      "tpu.trace_start"() <{level = 10 : i32, message = "ep_initialize_0"}> : () -> ()
      %rem3A = arith.constant 0 : i32
      %rem3A_37 = arith.constant 2 : i32
      %rem3A_38 = arith.remui %rem3A, %rem3A_37 : i32
      %mul3A_39 = arith.constant 128 : i32
      %mul3A_40 = arith.muli %mul3A_39, %add3A_11 : i32
      %dma_start3A = arith.constant 0 : i32
      %dma_start3A_41 = arith.constant 0 : i32
      %dma_start3A_42 = tpu.memref_slice %run_scoped3A[%rem3A_38, %dma_start3A, %dma_start3A_41] : memref<2x1x128xi32, #tpu.memory_space<vmem>> -> memref<1x1x128xi32, #tpu.memory_space<vmem>>
      %dma_start3A_43 = tpu.memref_squeeze %dma_start3A_42 : memref<1x1x128xi32, #tpu.memory_space<vmem>> -> memref<1x128xi32, #tpu.memory_space<vmem>>
      %dma_start3A_44 = arith.constant 0 : i32
      %dma_start3A_45 = tpu.memref_slice %arg3[%dma_start3A_44, %mul3A_40] : memref<1x16384xi32, #tpu.memory_space<hbm>> -> memref<1x128xi32, #tpu.memory_space<hbm>>
      %dma_start3A_46 = tpu.memref_slice %run_scoped3A_7[%rem3A_38] : memref<2x!tpu.dma_semaphore, #tpu.memory_space<semaphore_mem>> -> memref<1x!tpu.dma_semaphore, #tpu.memory_space<semaphore_mem>>
      %dma_start3A_47 = tpu.memref_squeeze %dma_start3A_46 : memref<1x!tpu.dma_semaphore, #tpu.memory_space<semaphore_mem>> -> memref<!tpu.dma_semaphore, #tpu.memory_space<semaphore_mem>>
      %dma_start3A_48 = arith.constant 0 : i32
      %dma_start3A_49 = arith.constant 0 : i32
      %dma_start3A_50 = tpu.memref_slice %run_scoped3A[%rem3A_38, %dma_start3A_48, %dma_start3A_49] : memref<2x1x128xi32, #tpu.memory_space<vmem>> -> memref<1x1x128xi32, #tpu.memory_space<vmem>>
      %dma_start3A_51 = tpu.memref_squeeze %dma_start3A_50 : memref<1x1x128xi32, #tpu.memory_space<vmem>> -> memref<1x128xi32, #tpu.memory_space<vmem>>
      %dma_start3A_52 = arith.constant 0 : i32
      %dma_start3A_53 = tpu.memref_slice %arg3[%dma_start3A_52, %mul3A_40] : memref<1x16384xi32, #tpu.memory_space<hbm>> -> memref<1x128xi32, #tpu.memory_space<hbm>>
      tpu.enqueue_dma source(%dma_start3A_53 : memref<1x128xi32, #tpu.memory_space<hbm>>) target(%dma_start3A_51 : memref<1x128xi32, #tpu.memory_space<vmem>>) target_semaphore(%dma_start3A_47 : memref<!tpu.dma_semaphore, #tpu.memory_space<semaphore_mem>>)
      %add3A_54 = arith.constant 0 : i32
      %add3A_55 = arith.constant 1 : i32
      %add3A_56 = arith.addi %add3A_54, %add3A_55 : i32
      %select_n3A_57 = arith.constant true
      %select_n3A_58 = arith.constant 0 : i32
      %select_n3A_59 = arith.select %select_n3A_57, %add3A_56, %select_n3A_58 : i32
      "tpu.trace_stop"() : () -> ()
      %scan3A = arith.constant 0 : i32
      %scan3A_60 = arith.constant 0 : i32
      %scan3A_61 = arith.constant 0 : i32
      %scan3A_62 = arith.constant 0 : i32
      %scan3A_63 = arith.constant 0 : i32
      %scan3A_64 = arith.constant 3 : i32
      %scan3A_65 = arith.addi %scan3A_63, %scan3A_64 : i32
      %scan3A_66 = arith.constant 1 : i32
      %scan3A_67:5 = scf.for %scan3A_121 = %scan3A_63 to %scan3A_65 step %scan3A_66 iter_args(%scan3A_122 = %select_n3A_59, %scan3A_123 = %scan3A, %scan3A_124 = %scan3A_60, %scan3A_125 = %scan3A_61, %scan3A_126 = %scan3A_62) -> (i32, i32, i32, i32, i32)  : i32 {
        %eq3A_127 = arith.constant 0 : i32
        %eq3A_128 = arith.cmpi eq, %scan3A_121, %eq3A_127 : i32
        %eq3A_129 = arith.constant 2 : i32
        %eq3A_130 = arith.cmpi eq, %scan3A_121, %eq3A_129 : i32
        %add3A_131 = arith.addi %scan3A_126, %mul3A_6 : i32
        %sub3A_132 = arith.constant 1 : i32
        %sub3A_133 = arith.subi %scan3A_126, %sub3A_132 : i32
        %select_n3A_134 = arith.constant true
        %select_n3A_135 = arith.select %select_n3A_134, %sub3A_133, %scan3A_126 : i32
        %eq3A_136 = arith.constant -1 : i32
        %eq3A_137 = arith.cmpi eq, %select_n3A_135, %eq3A_136 : i32
        %select_n3A_138 = arith.constant 2 : i32
        %select_n3A_139 = arith.select %eq3A_137, %select_n3A_138, %select_n3A_135 : i32
        %add3A_140 = arith.addi %select_n3A_139, %mul3A_6 : i32
        %add3A_141 = arith.constant 1 : i32
        %add3A_142 = arith.addi %scan3A_126, %add3A_141 : i32
        %select_n3A_143 = arith.constant true
        %select_n3A_144 = arith.select %select_n3A_143, %add3A_142, %scan3A_126 : i32
        %eq3A_145 = arith.constant 3 : i32
        %eq3A_146 = arith.cmpi eq, %select_n3A_144, %eq3A_145 : i32
        %select_n3A_147 = arith.constant 0 : i32
        %select_n3A_148 = arith.select %eq3A_146, %select_n3A_147, %select_n3A_144 : i32
        %add3A_149 = arith.addi %select_n3A_148, %mul3A_6 : i32
        %add3A_150 = arith.constant 1 : i32
        %add3A_151 = arith.addi %select_n3A_148, %add3A_150 : i32
        %select_n3A_152 = arith.constant true
        %select_n3A_153 = arith.select %select_n3A_152, %add3A_151, %select_n3A_148 : i32
        %eq3A_154 = arith.constant 3 : i32
        %eq3A_155 = arith.cmpi eq, %select_n3A_153, %eq3A_154 : i32
        %select_n3A_156 = arith.constant 0 : i32
        %select_n3A_157 = arith.select %eq3A_155, %select_n3A_156, %select_n3A_153 : i32
        %add3A_158 = arith.addi %select_n3A_157, %mul3A_6 : i32
        %ne3A = arith.cmpi ne, %add3A_131, %add3A_149 : i32
        %or3A = arith.constant false
        %or3A_159 = arith.ori %or3A, %ne3A : i1
        %ge3A = arith.constant 2 : i32
        %ge3A_160 = arith.cmpi sge, %scan3A_121, %ge3A : i32
        %not3A = arith.constant true
        %not3A_161 = arith.xori %ge3A_160, %not3A : i1
        %and3A = arith.andi %or3A_159, %not3A_161 : i1
        %convert_element_type3A = arith.extui %and3A : i1 to i32
        %cond3A = arith.constant 0 : i32
        %cond3A_162 = arith.cmpi ne, %convert_element_type3A, %cond3A : i32
        scf.if %cond3A_162 {
          "tpu.trace_start"() <{level = 10 : i32, message = "ep_copy_in"}> : () -> ()
          %rem3A_264 = arith.constant 2 : i32
          %rem3A_265 = arith.remui %scan3A_122, %rem3A_264 : i32
          %mul3A_266 = arith.constant 128 : i32
          %mul3A_267 = arith.muli %mul3A_266, %add3A_149 : i32
          %dma_start3A_268 = arith.constant 0 : i32
          %dma_start3A_269 = arith.constant 0 : i32
          %dma_start3A_270 = tpu.memref_slice %run_scoped3A[%rem3A_265, %dma_start3A_268, %dma_start3A_269] : memref<2x1x128xi32, #tpu.memory_space<vmem>> -> memref<1x1x128xi32, #tpu.memory_space<vmem>>
          %dma_start3A_271 = tpu.memref_squeeze %dma_start3A_270 : memref<1x1x128xi32, #tpu.memory_space<vmem>> -> memref<1x128xi32, #tpu.memory_space<vmem>>
          %dma_start3A_272 = arith.constant 0 : i32
          %dma_start3A_273 = tpu.memref_slice %arg3[%dma_start3A_272, %mul3A_267] : memref<1x16384xi32, #tpu.memory_space<hbm>> -> memref<1x128xi32, #tpu.memory_space<hbm>>
          %dma_start3A_274 = tpu.memref_slice %run_scoped3A_7[%rem3A_265] : memref<2x!tpu.dma_semaphore, #tpu.memory_space<semaphore_mem>> -> memref<1x!tpu.dma_semaphore, #tpu.memory_space<semaphore_mem>>
          %dma_start3A_275 = tpu.memref_squeeze %dma_start3A_274 : memref<1x!tpu.dma_semaphore, #tpu.memory_space<semaphore_mem>> -> memref<!tpu.dma_semaphore, #tpu.memory_space<semaphore_mem>>
          %dma_start3A_276 = arith.constant 0 : i32
          %dma_start3A_277 = arith.constant 0 : i32
          %dma_start3A_278 = tpu.memref_slice %run_scoped3A[%rem3A_265, %dma_start3A_276, %dma_start3A_277] : memref<2x1x128xi32, #tpu.memory_space<vmem>> -> memref<1x1x128xi32, #tpu.memory_space<vmem>>
          %dma_start3A_279 = tpu.memref_squeeze %dma_start3A_278 : memref<1x1x128xi32, #tpu.memory_space<vmem>> -> memref<1x128xi32, #tpu.memory_space<vmem>>
          %dma_start3A_280 = arith.constant 0 : i32
          %dma_start3A_281 = tpu.memref_slice %arg3[%dma_start3A_280, %mul3A_267] : memref<1x16384xi32, #tpu.memory_space<hbm>> -> memref<1x128xi32, #tpu.memory_space<hbm>>
          tpu.enqueue_dma source(%dma_start3A_281 : memref<1x128xi32, #tpu.memory_space<hbm>>) target(%dma_start3A_279 : memref<1x128xi32, #tpu.memory_space<vmem>>) target_semaphore(%dma_start3A_275 : memref<!tpu.dma_semaphore, #tpu.memory_space<semaphore_mem>>)
          "tpu.trace_stop"() : () -> ()
        } else {
        }
        %and3A_163 = arith.constant true
        %and3A_164 = arith.andi %and3A, %and3A_163 : i1
        %add3A_165 = arith.constant 1 : i32
        %add3A_166 = arith.addi %scan3A_122, %add3A_165 : i32
        %select_n3A_167 = arith.select %and3A_164, %add3A_166, %scan3A_122 : i32
        %ne3A_168 = arith.cmpi ne, %add3A_131, %add3A_149 : i32
        %or3A_169 = arith.constant false
        %or3A_170 = arith.ori %or3A_169, %ne3A_168 : i1
        %or3A_171 = arith.constant false
        %or3A_172 = arith.ori %or3A_170, %or3A_171 : i1
        %ge3A_173 = arith.constant 2 : i32
        %ge3A_174 = arith.cmpi sge, %scan3A_121, %ge3A_173 : i32
        %not3A_175 = arith.constant true
        %not3A_176 = arith.xori %ge3A_174, %not3A_175 : i1
        %and3A_177 = arith.andi %or3A_172, %not3A_176 : i1
        %ne3A_178 = arith.cmpi ne, %add3A_131, %add3A_140 : i32
        %or3A_179 = arith.constant false
        %or3A_180 = arith.ori %or3A_179, %ne3A_178 : i1
        %or3A_181 = arith.ori %or3A_180, %eq3A_128 : i1
        %convert_element_type3A_182 = arith.extui %or3A_181 : i1 to i32
        %cond3A_183 = arith.constant 0 : i32
        %cond3A_184 = arith.cmpi ne, %convert_element_type3A_182, %cond3A_183 : i32
        scf.if %cond3A_184 {
          "tpu.trace_start"() <{level = 10 : i32, message = "ep_wait_in"}> : () -> ()
          %mul3A_264 = arith.constant 128 : i32
          %mul3A_265 = arith.muli %mul3A_264, %add3A_131 : i32
          %rem3A_266 = arith.constant 2 : i32
          %rem3A_267 = arith.remui %scan3A_123, %rem3A_266 : i32
          %dma_wait3A_268 = arith.constant 0 : i32
          %dma_wait3A_269 = arith.constant 0 : i32
          %dma_wait3A_270 = tpu.memref_slice %run_scoped3A[%rem3A_267, %dma_wait3A_268, %dma_wait3A_269] : memref<2x1x128xi32, #tpu.memory_space<vmem>> -> memref<1x1x128xi32, #tpu.memory_space<vmem>>
          %dma_wait3A_271 = tpu.memref_squeeze %dma_wait3A_270 : memref<1x1x128xi32, #tpu.memory_space<vmem>> -> memref<1x128xi32, #tpu.memory_space<vmem>>
          %dma_wait3A_272 = arith.constant 0 : i32
          %dma_wait3A_273 = tpu.memref_slice %arg3[%dma_wait3A_272, %mul3A_265] : memref<1x16384xi32, #tpu.memory_space<hbm>> -> memref<1x128xi32, #tpu.memory_space<hbm>>
          %dma_wait3A_274 = tpu.memref_slice %run_scoped3A_7[%rem3A_267] : memref<2x!tpu.dma_semaphore, #tpu.memory_space<semaphore_mem>> -> memref<1x!tpu.dma_semaphore, #tpu.memory_space<semaphore_mem>>
          %dma_wait3A_275 = tpu.memref_squeeze %dma_wait3A_274 : memref<1x!tpu.dma_semaphore, #tpu.memory_space<semaphore_mem>> -> memref<!tpu.dma_semaphore, #tpu.memory_space<semaphore_mem>>
          %dma_wait3A_276 = arith.constant 0 : i32
          %dma_wait3A_277 = arith.constant 0 : i32
          %dma_wait3A_278 = tpu.memref_slice %run_scoped3A[%rem3A_267, %dma_wait3A_276, %dma_wait3A_277] : memref<2x1x128xi32, #tpu.memory_space<vmem>> -> memref<1x1x128xi32, #tpu.memory_space<vmem>>
          %dma_wait3A_279 = tpu.memref_squeeze %dma_wait3A_278 : memref<1x1x128xi32, #tpu.memory_space<vmem>> -> memref<1x128xi32, #tpu.memory_space<vmem>>
          %dma_wait3A_280 = arith.constant 0 : i32
          %dma_wait3A_281 = tpu.memref_slice %arg3[%dma_wait3A_280, %mul3A_265] : memref<1x16384xi32, #tpu.memory_space<hbm>> -> memref<1x128xi32, #tpu.memory_space<hbm>>
          tpu.wait_dma2 semaphore(%dma_wait3A_275 : memref<!tpu.dma_semaphore, #tpu.memory_space<semaphore_mem>>) src(%dma_wait3A_281 : memref<1x128xi32, #tpu.memory_space<hbm>>) dst(%dma_wait3A_279 : memref<1x128xi32, #tpu.memory_space<vmem>>)
          "tpu.trace_stop"() : () -> ()
        } else {
        }
        %ne3A_185 = arith.cmpi ne, %add3A_131, %add3A_140 : i32
        %or3A_186 = arith.constant false
        %or3A_187 = arith.ori %or3A_186, %ne3A_185 : i1
        %or3A_188 = arith.constant false
        %or3A_189 = arith.ori %or3A_187, %or3A_188 : i1
        %or3A_190 = arith.ori %or3A_189, %eq3A_128 : i1
        %convert_element_type3A_191 = arith.extui %or3A_190 : i1 to i32
        %cond3A_192 = arith.constant 0 : i32
        %cond3A_193 = arith.cmpi ne, %convert_element_type3A_191, %cond3A_192 : i32
        scf.if %cond3A_193 {
        } else {
        }
        %rem3A_194 = arith.constant 2 : i32
        %rem3A_195 = arith.remui %scan3A_123, %rem3A_194 : i32
        %rem3A_196 = arith.constant 2 : i32
        %rem3A_197 = arith.remui %scan3A_124, %rem3A_196 : i32
        %run_scoped3A_198 = arith.constant 0 : i32
        "tpu.trace_start"() <{level = 10 : i32, message = "ep_run_kernel"}> : () -> ()
        "tpu.region"() ({
          %run_scoped3A_264 = tpu.sem_alloc : memref<!tpu.dma_semaphore, #tpu.memory_space<semaphore_mem>>
          %dma_start3A_265 = arith.constant 0 : i32
          %dma_start3A_266 = arith.constant 0 : i32
          %dma_start3A_267 = tpu.memref_slice %run_scoped3A_8[%rem3A_197, %dma_start3A_265, %dma_start3A_266] : memref<2x128x256xf32, #tpu.memory_space<vmem>> -> memref<1x128x256xf32, #tpu.memory_space<vmem>>
          %dma_start3A_268 = tpu.memref_squeeze %dma_start3A_267 : memref<1x128x256xf32, #tpu.memory_space<vmem>> -> memref<128x256xf32, #tpu.memory_space<vmem>>
          %dma_start3A_269 = arith.constant 0 : i32
          %dma_start3A_270 = arith.constant 0 : i32
          %dma_start3A_271 = tpu.memref_slice %run_scoped3A[%rem3A_195, %dma_start3A_269, %dma_start3A_270] : memref<2x1x128xi32, #tpu.memory_space<vmem>> -> memref<1x1x128xi32, #tpu.memory_space<vmem>>
          %dma_start3A_272 = tpu.memref_squeeze %dma_start3A_271 : memref<1x1x128xi32, #tpu.memory_space<vmem>> -> memref<1x128xi32, #tpu.memory_space<vmem>>
          %dma_start3A_273 = arith.constant 0 : i32
          %dma_start3A_274 = tpu.memref_slice %dma_start3A_272[%run_scoped3A_198, %dma_start3A_273] : memref<1x128xi32, #tpu.memory_space<vmem>> -> memref<1x128xi32, #tpu.memory_space<vmem>>
          %dma_start3A_275 = tpu.memref_squeeze %dma_start3A_274 : memref<1x128xi32, #tpu.memory_space<vmem>> -> memref<128xi32, #tpu.memory_space<vmem>>
          %dma_start3A_276 = arith.constant 0 : i32
          %dma_start3A_277 = arith.constant 0 : i32
          %dma_start3A_278 = tpu.memref_slice %arg2[%dma_start3A_276, %dma_start3A_277] : memref<2048x256xf32, #tpu.memory_space<hbm>> -> memref<2048x256xf32, #tpu.memory_space<hbm>>
          tpu.enqueue_indirect_dma source(%dma_start3A_278 : memref<2048x256xf32, #tpu.memory_space<hbm>>) target(%dma_start3A_268 : memref<128x256xf32, #tpu.memory_space<vmem>>) offsets(%dma_start3A_275 : memref<128xi32, #tpu.memory_space<vmem>>) semaphore(%run_scoped3A_264 : memref<!tpu.dma_semaphore, #tpu.memory_space<semaphore_mem>>)
          %dma_wait3A_279 = arith.constant 0 : i32
          %dma_wait3A_280 = arith.constant 0 : i32
          %dma_wait3A_281 = tpu.memref_slice %run_scoped3A_8[%rem3A_197, %dma_wait3A_279, %dma_wait3A_280] : memref<2x128x256xf32, #tpu.memory_space<vmem>> -> memref<1x128x256xf32, #tpu.memory_space<vmem>>
          %dma_wait3A_282 = tpu.memref_squeeze %dma_wait3A_281 : memref<1x128x256xf32, #tpu.memory_space<vmem>> -> memref<128x256xf32, #tpu.memory_space<vmem>>
          %dma_wait3A_283 = arith.constant 0 : i32
          %dma_wait3A_284 = arith.constant 0 : i32
          %dma_wait3A_285 = tpu.memref_slice %run_scoped3A[%rem3A_195, %dma_wait3A_283, %dma_wait3A_284] : memref<2x1x128xi32, #tpu.memory_space<vmem>> -> memref<1x1x128xi32, #tpu.memory_space<vmem>>
          %dma_wait3A_286 = tpu.memref_squeeze %dma_wait3A_285 : memref<1x1x128xi32, #tpu.memory_space<vmem>> -> memref<1x128xi32, #tpu.memory_space<vmem>>
          %dma_wait3A_287 = arith.constant 0 : i32
          %dma_wait3A_288 = tpu.memref_slice %dma_wait3A_286[%run_scoped3A_198, %dma_wait3A_287] : memref<1x128xi32, #tpu.memory_space<vmem>> -> memref<1x128xi32, #tpu.memory_space<vmem>>
          %dma_wait3A_289 = tpu.memref_squeeze %dma_wait3A_288 : memref<1x128xi32, #tpu.memory_space<vmem>> -> memref<128xi32, #tpu.memory_space<vmem>>
          %dma_wait3A_290 = arith.constant 0 : i32
          %dma_wait3A_291 = arith.constant 0 : i32
          %dma_wait3A_292 = tpu.memref_slice %arg2[%dma_wait3A_290, %dma_wait3A_291] : memref<2048x256xf32, #tpu.memory_space<hbm>> -> memref<2048x256xf32, #tpu.memory_space<hbm>>
          tpu.wait_indirect_dma semaphore(%run_scoped3A_264 : memref<!tpu.dma_semaphore, #tpu.memory_space<semaphore_mem>>) src(%dma_wait3A_292 : memref<2048x256xf32, #tpu.memory_space<hbm>>) dst(%dma_wait3A_282 : memref<128x256xf32, #tpu.memory_space<vmem>>)
          tpu.yield
        }) : () -> ()
        "tpu.trace_stop"() : () -> ()
        %ne3A_199 = arith.cmpi ne, %add3A_131, %add3A_149 : i32
        %or3A_200 = arith.constant false
        %or3A_201 = arith.ori %or3A_200, %ne3A_199 : i1
        %or3A_202 = arith.ori %or3A_201, %eq3A_130 : i1
        %convert_element_type3A_203 = arith.extui %or3A_202 : i1 to i32
        %cond3A_204 = arith.constant 0 : i32
        %cond3A_205 = arith.cmpi ne, %convert_element_type3A_203, %cond3A_204 : i32
        scf.if %cond3A_205 {
        } else {
        }
        %and3A_206 = arith.constant false
        %and3A_207 = arith.andi %or3A_202, %and3A_206 : i1
        %ne3A_208 = arith.cmpi ne, %add3A_131, %add3A_149 : i32
        %or3A_209 = arith.constant false
        %or3A_210 = arith.ori %or3A_209, %ne3A_208 : i1
        %or3A_211 = arith.constant false
        %or3A_212 = arith.ori %or3A_210, %or3A_211 : i1
        %or3A_213 = arith.ori %or3A_212, %eq3A_130 : i1
        %convert_element_type3A_214 = arith.extui %or3A_213 : i1 to i32
        %cond3A_215 = arith.constant 0 : i32
        %cond3A_216 = arith.cmpi ne, %convert_element_type3A_214, %cond3A_215 : i32
        scf.if %cond3A_216 {
          "tpu.trace_start"() <{level = 10 : i32, message = "ep_copy_out"}> : () -> ()
          %rem3A_264 = arith.constant 2 : i32
          %rem3A_265 = arith.remui %scan3A_124, %rem3A_264 : i32
          %mul3A_266 = arith.constant 128 : i32
          %mul3A_267 = arith.muli %mul3A_266, %add3A_131 : i32
          %dma_start3A_268 = arith.constant 0 : i32
          %dma_start3A_269 = arith.constant 0 : i32
          %dma_start3A_270 = tpu.memref_slice %run_scoped3A_8[%rem3A_265, %dma_start3A_268, %dma_start3A_269] : memref<2x128x256xf32, #tpu.memory_space<vmem>> -> memref<1x128x256xf32, #tpu.memory_space<vmem>>
          %dma_start3A_271 = tpu.memref_squeeze %dma_start3A_270 : memref<1x128x256xf32, #tpu.memory_space<vmem>> -> memref<128x256xf32, #tpu.memory_space<vmem>>
          %dma_start3A_272 = arith.constant 0 : i32
          %dma_start3A_273 = tpu.memref_slice %arg4[%mul3A_267, %dma_start3A_272] : memref<12288x256xf32, #tpu.memory_space<hbm>> -> memref<128x256xf32, #tpu.memory_space<hbm>>
          %dma_start3A_274 = tpu.memref_slice %run_scoped3A_9[%rem3A_265] : memref<2x!tpu.dma_semaphore, #tpu.memory_space<semaphore_mem>> -> memref<1x!tpu.dma_semaphore, #tpu.memory_space<semaphore_mem>>
          %dma_start3A_275 = tpu.memref_squeeze %dma_start3A_274 : memref<1x!tpu.dma_semaphore, #tpu.memory_space<semaphore_mem>> -> memref<!tpu.dma_semaphore, #tpu.memory_space<semaphore_mem>>
          %dma_start3A_276 = arith.constant 0 : i32
          %dma_start3A_277 = tpu.memref_slice %arg4[%mul3A_267, %dma_start3A_276] : memref<12288x256xf32, #tpu.memory_space<hbm>> -> memref<128x256xf32, #tpu.memory_space<hbm>>
          %dma_start3A_278 = arith.constant 0 : i32
          %dma_start3A_279 = arith.constant 0 : i32
          %dma_start3A_280 = tpu.memref_slice %run_scoped3A_8[%rem3A_265, %dma_start3A_278, %dma_start3A_279] : memref<2x128x256xf32, #tpu.memory_space<vmem>> -> memref<1x128x256xf32, #tpu.memory_space<vmem>>
          %dma_start3A_281 = tpu.memref_squeeze %dma_start3A_280 : memref<1x128x256xf32, #tpu.memory_space<vmem>> -> memref<128x256xf32, #tpu.memory_space<vmem>>
          tpu.enqueue_dma source(%dma_start3A_281 : memref<128x256xf32, #tpu.memory_space<vmem>>) target(%dma_start3A_277 : memref<128x256xf32, #tpu.memory_space<hbm>>) target_semaphore(%dma_start3A_275 : memref<!tpu.dma_semaphore, #tpu.memory_space<semaphore_mem>>)
          "tpu.trace_stop"() : () -> ()
        } else {
        }
        %and3A_217 = arith.constant true
        %and3A_218 = arith.andi %or3A_213, %and3A_217 : i1
        %add3A_219 = arith.constant 1 : i32
        %add3A_220 = arith.addi %scan3A_124, %add3A_219 : i32
        %select_n3A_221 = arith.select %and3A_218, %add3A_220, %scan3A_124 : i32
        %ne3A_222 = arith.cmpi ne, %add3A_131, %add3A_140 : i32
        %or3A_223 = arith.constant false
        %or3A_224 = arith.ori %or3A_223, %ne3A_222 : i1
        %not3A_225 = arith.constant true
        %not3A_226 = arith.xori %eq3A_128, %not3A_225 : i1
        %and3A_227 = arith.andi %or3A_224, %not3A_226 : i1
        %convert_element_type3A_228 = arith.extui %and3A_227 : i1 to i32
        %cond3A_229 = arith.constant 0 : i32
        %cond3A_230 = arith.cmpi ne, %convert_element_type3A_228, %cond3A_229 : i32
        scf.if %cond3A_230 {
        } else {
        }
        %and3A_231 = arith.constant false
        %and3A_232 = arith.andi %and3A_227, %and3A_231 : i1
        %ne3A_233 = arith.cmpi ne, %add3A_131, %add3A_140 : i32
        %or3A_234 = arith.constant false
        %or3A_235 = arith.ori %or3A_234, %ne3A_233 : i1
        %or3A_236 = arith.constant false
        %or3A_237 = arith.ori %or3A_235, %or3A_236 : i1
        %not3A_238 = arith.constant true
        %not3A_239 = arith.xori %eq3A_128, %not3A_238 : i1
        %and3A_240 = arith.andi %or3A_237, %not3A_239 : i1
        %convert_element_type3A_241 = arith.extui %and3A_240 : i1 to i32
        %cond3A_242 = arith.constant 0 : i32
        %cond3A_243 = arith.cmpi ne, %convert_element_type3A_241, %cond3A_242 : i32
        scf.if %cond3A_243 {
          "tpu.trace_start"() <{level = 10 : i32, message = "ep_wait_out"}> : () -> ()
          %rem3A_264 = arith.constant 2 : i32
          %rem3A_265 = arith.remui %scan3A_125, %rem3A_264 : i32
          %mul3A_266 = arith.constant 128 : i32
          %mul3A_267 = arith.muli %mul3A_266, %add3A_140 : i32
          %dma_wait3A_268 = arith.constant 0 : i32
          %dma_wait3A_269 = arith.constant 0 : i32
          %dma_wait3A_270 = tpu.memref_slice %run_scoped3A_8[%rem3A_265, %dma_wait3A_268, %dma_wait3A_269] : memref<2x128x256xf32, #tpu.memory_space<vmem>> -> memref<1x128x256xf32, #tpu.memory_space<vmem>>
          %dma_wait3A_271 = tpu.memref_squeeze %dma_wait3A_270 : memref<1x128x256xf32, #tpu.memory_space<vmem>> -> memref<128x256xf32, #tpu.memory_space<vmem>>
          %dma_wait3A_272 = arith.constant 0 : i32
          %dma_wait3A_273 = tpu.memref_slice %arg4[%mul3A_267, %dma_wait3A_272] : memref<12288x256xf32, #tpu.memory_space<hbm>> -> memref<128x256xf32, #tpu.memory_space<hbm>>
          %dma_wait3A_274 = tpu.memref_slice %run_scoped3A_9[%rem3A_265] : memref<2x!tpu.dma_semaphore, #tpu.memory_space<semaphore_mem>> -> memref<1x!tpu.dma_semaphore, #tpu.memory_space<semaphore_mem>>
          %dma_wait3A_275 = tpu.memref_squeeze %dma_wait3A_274 : memref<1x!tpu.dma_semaphore, #tpu.memory_space<semaphore_mem>> -> memref<!tpu.dma_semaphore, #tpu.memory_space<semaphore_mem>>
          %dma_wait3A_276 = arith.constant 0 : i32
          %dma_wait3A_277 = tpu.memref_slice %arg4[%mul3A_267, %dma_wait3A_276] : memref<12288x256xf32, #tpu.memory_space<hbm>> -> memref<128x256xf32, #tpu.memory_space<hbm>>
          %dma_wait3A_278 = arith.constant 0 : i32
          %dma_wait3A_279 = arith.constant 0 : i32
          %dma_wait3A_280 = tpu.memref_slice %run_scoped3A_8[%rem3A_265, %dma_wait3A_278, %dma_wait3A_279] : memref<2x128x256xf32, #tpu.memory_space<vmem>> -> memref<1x128x256xf32, #tpu.memory_space<vmem>>
          %dma_wait3A_281 = tpu.memref_squeeze %dma_wait3A_280 : memref<1x128x256xf32, #tpu.memory_space<vmem>> -> memref<128x256xf32, #tpu.memory_space<vmem>>
          tpu.wait_dma2 semaphore(%dma_wait3A_275 : memref<!tpu.dma_semaphore, #tpu.memory_space<semaphore_mem>>) src(%dma_wait3A_281 : memref<128x256xf32, #tpu.memory_space<vmem>>) dst(%dma_wait3A_277 : memref<128x256xf32, #tpu.memory_space<hbm>>)
          "tpu.trace_stop"() : () -> ()
        } else {
        }
        %and3A_244 = arith.constant true
        %and3A_245 = arith.andi %and3A_240, %and3A_244 : i1
        %add3A_246 = arith.constant 1 : i32
        %add3A_247 = arith.addi %scan3A_125, %add3A_246 : i32
        %select_n3A_248 = arith.select %and3A_245, %add3A_247, %scan3A_125 : i32
        %ne3A_249 = arith.cmpi ne, %add3A_131, %add3A_149 : i32
        %or3A_250 = arith.constant false
        %or3A_251 = arith.ori %or3A_250, %ne3A_249 : i1
        %or3A_252 = arith.ori %or3A_251, %eq3A_130 : i1
        %add3A_253 = arith.constant 1 : i32
        %add3A_254 = arith.addi %scan3A_123, %add3A_253 : i32
        %select_n3A_255 = arith.select %or3A_252, %add3A_254, %scan3A_123 : i32
        %add3A_256 = arith.constant 1 : i32
        %add3A_257 = arith.addi %scan3A_126, %add3A_256 : i32
        %select_n3A_258 = arith.constant true
        %select_n3A_259 = arith.select %select_n3A_258, %add3A_257, %scan3A_126 : i32
        %eq3A_260 = arith.constant 3 : i32
        %eq3A_261 = arith.cmpi eq, %select_n3A_259, %eq3A_260 : i32
        %select_n3A_262 = arith.constant 0 : i32
        %select_n3A_263 = arith.select %eq3A_261, %select_n3A_262, %select_n3A_259 : i32
        scf.yield %select_n3A_167, %select_n3A_255, %select_n3A_221, %select_n3A_248, %select_n3A_263 : i32, i32, i32, i32, i32
      }
      %scan3A_68 = arith.constant 3 : i32
      %sub3A = arith.constant 1 : i32
      %sub3A_69 = arith.subi %scan3A_67#4, %sub3A : i32
      %select_n3A_70 = arith.constant true
      %select_n3A_71 = arith.select %select_n3A_70, %sub3A_69, %scan3A_67#4 : i32
      %eq3A_72 = arith.constant -1 : i32
      %eq3A_73 = arith.cmpi eq, %select_n3A_71, %eq3A_72 : i32
      %select_n3A_74 = arith.constant 2 : i32
      %select_n3A_75 = arith.select %eq3A_73, %select_n3A_74, %select_n3A_71 : i32
      %add3A_76 = arith.addi %select_n3A_75, %mul3A_6 : i32
      %sub3A_77 = arith.constant 1 : i32
      %sub3A_78 = arith.subi %select_n3A_75, %sub3A_77 : i32
      %select_n3A_79 = arith.constant true
      %select_n3A_80 = arith.select %select_n3A_79, %sub3A_78, %select_n3A_75 : i32
      %eq3A_81 = arith.constant -1 : i32
      %eq3A_82 = arith.cmpi eq, %select_n3A_80, %eq3A_81 : i32
      %select_n3A_83 = arith.constant 2 : i32
      %select_n3A_84 = arith.select %eq3A_82, %select_n3A_83, %select_n3A_80 : i32
      %add3A_85 = arith.addi %select_n3A_84, %mul3A_6 : i32
      %add3A_86 = arith.constant 1 : i32
      %add3A_87 = arith.addi %select_n3A_75, %add3A_86 : i32
      %select_n3A_88 = arith.constant true
      %select_n3A_89 = arith.select %select_n3A_88, %add3A_87, %select_n3A_75 : i32
      %eq3A_90 = arith.constant 3 : i32
      %eq3A_91 = arith.cmpi eq, %select_n3A_89, %eq3A_90 : i32
      %select_n3A_92 = arith.constant 0 : i32
      %select_n3A_93 = arith.select %eq3A_91, %select_n3A_92, %select_n3A_89 : i32
      %add3A_94 = arith.addi %select_n3A_93, %mul3A_6 : i32
      %add3A_95 = arith.constant 1 : i32
      %add3A_96 = arith.addi %select_n3A_93, %add3A_95 : i32
      %select_n3A_97 = arith.constant true
      %select_n3A_98 = arith.select %select_n3A_97, %add3A_96, %select_n3A_93 : i32
      %eq3A_99 = arith.constant 3 : i32
      %eq3A_100 = arith.cmpi eq, %select_n3A_98, %eq3A_99 : i32
      %select_n3A_101 = arith.constant 0 : i32
      %select_n3A_102 = arith.select %eq3A_100, %select_n3A_101, %select_n3A_98 : i32
      %add3A_103 = arith.addi %select_n3A_102, %mul3A_6 : i32
      "tpu.trace_start"() <{level = 10 : i32, message = "ep_finalize"}> : () -> ()
      %rem3A_104 = arith.constant 2 : i32
      %rem3A_105 = arith.remui %scan3A_67#3, %rem3A_104 : i32
      %mul3A_106 = arith.constant 128 : i32
      %mul3A_107 = arith.muli %mul3A_106, %add3A_76 : i32
      %dma_wait3A = arith.constant 0 : i32
      %dma_wait3A_108 = arith.constant 0 : i32
      %dma_wait3A_109 = tpu.memref_slice %run_scoped3A_8[%rem3A_105, %dma_wait3A, %dma_wait3A_108] : memref<2x128x256xf32, #tpu.memory_space<vmem>> -> memref<1x128x256xf32, #tpu.memory_space<vmem>>
      %dma_wait3A_110 = tpu.memref_squeeze %dma_wait3A_109 : memref<1x128x256xf32, #tpu.memory_space<vmem>> -> memref<128x256xf32, #tpu.memory_space<vmem>>
      %dma_wait3A_111 = arith.constant 0 : i32
      %dma_wait3A_112 = tpu.memref_slice %arg4[%mul3A_107, %dma_wait3A_111] : memref<12288x256xf32, #tpu.memory_space<hbm>> -> memref<128x256xf32, #tpu.memory_space<hbm>>
      %dma_wait3A_113 = tpu.memref_slice %run_scoped3A_9[%rem3A_105] : memref<2x!tpu.dma_semaphore, #tpu.memory_space<semaphore_mem>> -> memref<1x!tpu.dma_semaphore, #tpu.memory_space<semaphore_mem>>
      %dma_wait3A_114 = tpu.memref_squeeze %dma_wait3A_113 : memref<1x!tpu.dma_semaphore, #tpu.memory_space<semaphore_mem>> -> memref<!tpu.dma_semaphore, #tpu.memory_space<semaphore_mem>>
      %dma_wait3A_115 = arith.constant 0 : i32
      %dma_wait3A_116 = tpu.memref_slice %arg4[%mul3A_107, %dma_wait3A_115] : memref<12288x256xf32, #tpu.memory_space<hbm>> -> memref<128x256xf32, #tpu.memory_space<hbm>>
      %dma_wait3A_117 = arith.constant 0 : i32
      %dma_wait3A_118 = arith.constant 0 : i32
      %dma_wait3A_119 = tpu.memref_slice %run_scoped3A_8[%rem3A_105, %dma_wait3A_117, %dma_wait3A_118] : memref<2x128x256xf32, #tpu.memory_space<vmem>> -> memref<1x128x256xf32, #tpu.memory_space<vmem>>
      %dma_wait3A_120 = tpu.memref_squeeze %dma_wait3A_119 : memref<1x128x256xf32, #tpu.memory_space<vmem>> -> memref<128x256xf32, #tpu.memory_space<vmem>>
      tpu.wait_dma2 semaphore(%dma_wait3A_114 : memref<!tpu.dma_semaphore, #tpu.memory_space<semaphore_mem>>) src(%dma_wait3A_120 : memref<128x256xf32, #tpu.memory_space<vmem>>) dst(%dma_wait3A_116 : memref<128x256xf32, #tpu.memory_space<hbm>>)
      "tpu.trace_stop"() : () -> ()
      tpu.yield
    }) : () -> ()
    return
  }
}

#map = affine_map<(d0, d1) -> (0, 0)>
module attributes {stable_mosaic.version = 14 : i64} {
  func.func @_gather(%arg0: i32, %arg1: i32, %arg2: memref<2048x256xf32, #tpu.memory_space<hbm>>, %arg3: memref<1x16384xi32, #tpu.memory_space<hbm>>, %arg4: memref<12288x256xf32, #tpu.memory_space<hbm>>) attributes {dimension_semantics = [#tpu.dimension_semantics<core_parallel>, #tpu.dimension_semantics<subcore_parallel>], iteration_bounds = array<i64: 2, 16>, scalar_prefetch = 0 : i64, scratch_operands = 0 : i64, tpu.core_type = #tpu.core_type<sc_vector_subcore>, window_params = [{transform_indices = #map}, {transform_indices = #map}, {transform_indices = #map}]} {
    %mul3A = arith.constant 1 : i32
    %mul3A_0 = arith.muli %arg1, %mul3A : i32
    %add3A = arith.constant 0 : i32
    %add3A_1 = arith.addi %add3A, %mul3A_0 : i32
    %mul3A_2 = arith.constant 16 : i32
    %mul3A_3 = arith.muli %arg0, %mul3A_2 : i32
    %add3A_4 = arith.addi %add3A_1, %mul3A_3 : i32
    %mul3A_5 = arith.constant 3 : i32
    %mul3A_6 = arith.muli %add3A_4, %mul3A_5 : i32
    "tpu.region"() ({
      %run_scoped3A = memref.alloca() : memref<2x1x128xi32, #tpu.memory_space<vmem>>
      %run_scoped3A_7 = tpu.sem_alloc : memref<2x!tpu.dma_semaphore, #tpu.memory_space<semaphore_mem>>
      %run_scoped3A_8 = memref.alloca() : memref<2x128x256xf32, #tpu.memory_space<vmem>>
      %run_scoped3A_9 = tpu.sem_alloc : memref<2x!tpu.dma_semaphore, #tpu.memory_space<semaphore_mem>>
      %add3A_10 = arith.constant 0 : i32
      %add3A_11 = arith.addi %add3A_10, %mul3A_6 : i32
      %select_n3A = arith.constant true
      %select_n3A_12 = arith.constant 0 : i32
      %select_n3A_13 = arith.constant -1 : i32
      %select_n3A_14 = arith.select %select_n3A, %select_n3A_13, %select_n3A_12 : i32
      %eq3A = arith.constant -1 : i32
      %eq3A_15 = arith.cmpi eq, %select_n3A_14, %eq3A : i32
      %select_n3A_16 = arith.constant 2 : i32
      %select_n3A_17 = arith.select %eq3A_15, %select_n3A_16, %select_n3A_14 : i32
      %add3A_18 = arith.addi %select_n3A_17, %mul3A_6 : i32
      %select_n3A_19 = arith.constant true
      %select_n3A_20 = arith.constant 0 : i32
      %select_n3A_21 = arith.constant 1 : i32
      %select_n3A_22 = arith.select %select_n3A_19, %select_n3A_21, %select_n3A_20 : i32
      %eq3A_23 = arith.constant 3 : i32
      %eq3A_24 = arith.cmpi eq, %select_n3A_22, %eq3A_23 : i32
      %select_n3A_25 = arith.constant 0 : i32
      %select_n3A_26 = arith.select %eq3A_24, %select_n3A_25, %select_n3A_22 : i32
      %add3A_27 = arith.addi %select_n3A_26, %mul3A_6 : i32
      %add3A_28 = arith.constant 1 : i32
      %add3A_29 = arith.addi %select_n3A_26, %add3A_28 : i32
      %select_n3A_30 = arith.constant true
      %select_n3A_31 = arith.select %select_n3A_30, %add3A_29, %select_n3A_26 : i32
      %eq3A_32 = arith.constant 3 : i32
      %eq3A_33 = arith.cmpi eq, %select_n3A_31, %eq3A_32 : i32
      %select_n3A_34 = arith.constant 0 : i32
      %select_n3A_35 = arith.select %eq3A_33, %select_n3A_34, %select_n3A_31 : i32
      %add3A_36 = arith.addi %select_n3A_35, %mul3A_6 : i32
      "tpu.trace_start"() <{level = 10 : i32, message = "ep_initialize_0"}> : () -> ()
      %rem3A = arith.constant 0 : i32
      %rem3A_37 = arith.constant 2 : i32
      %rem3A_38 = arith.remui %rem3A, %rem3A_37 : i32
      %mul3A_39 = arith.constant 128 : i32
      %mul3A_40 = arith.muli %mul3A_39, %add3A_11 : i32
      %dma_start3A = arith.constant 0 : i32
      %dma_start3A_41 = arith.constant 0 : i32
      %dma_start3A_42 = tpu.memref_slice %run_scoped3A[%rem3A_38, %dma_start3A, %dma_start3A_41] : memref<2x1x128xi32, #tpu.memory_space<vmem>> -> memref<1x1x128xi32, #tpu.memory_space<vmem>>
      %dma_start3A_43 = tpu.memref_squeeze %dma_start3A_42 : memref<1x1x128xi32, #tpu.memory_space<vmem>> -> memref<1x128xi32, #tpu.memory_space<vmem>>
      %dma_start3A_44 = arith.constant 0 : i32
      %dma_start3A_45 = tpu.memref_slice %arg3[%dma_start3A_44, %mul3A_40] : memref<1x16384xi32, #tpu.memory_space<hbm>> -> memref<1x128xi32, #tpu.memory_space<hbm>>
      %dma_start3A_46 = tpu.memref_slice %run_scoped3A_7[%rem3A_38] : memref<2x!tpu.dma_semaphore, #tpu.memory_space<semaphore_mem>> -> memref<1x!tpu.dma_semaphore, #tpu.memory_space<semaphore_mem>>
      %dma_start3A_47 = tpu.memref_squeeze %dma_start3A_46 : memref<1x!tpu.dma_semaphore, #tpu.memory_space<semaphore_mem>> -> memref<!tpu.dma_semaphore, #tpu.memory_space<semaphore_mem>>
      %dma_start3A_48 = arith.constant 0 : i32
      %dma_start3A_49 = arith.constant 0 : i32
      %dma_start3A_50 = tpu.memref_slice %run_scoped3A[%rem3A_38, %dma_start3A_48, %dma_start3A_49] : memref<2x1x128xi32, #tpu.memory_space<vmem>> -> memref<1x1x128xi32, #tpu.memory_space<vmem>>
      %dma_start3A_51 = tpu.memref_squeeze %dma_start3A_50 : memref<1x1x128xi32, #tpu.memory_space<vmem>> -> memref<1x128xi32, #tpu.memory_space<vmem>>
      %dma_start3A_52 = arith.constant 0 : i32
      %dma_start3A_53 = tpu.memref_slice %arg3[%dma_start3A_52, %mul3A_40] : memref<1x16384xi32, #tpu.memory_space<hbm>> -> memref<1x128xi32, #tpu.memory_space<hbm>>
      tpu.enqueue_dma source(%dma_start3A_53 : memref<1x128xi32, #tpu.memory_space<hbm>>) target(%dma_start3A_51 : memref<1x128xi32, #tpu.memory_space<vmem>>) target_semaphore(%dma_start3A_47 : memref<!tpu.dma_semaphore, #tpu.memory_space<semaphore_mem>>)
      %add3A_54 = arith.constant 0 : i32
      %add3A_55 = arith.constant 1 : i32
      %add3A_56 = arith.addi %add3A_54, %add3A_55 : i32
      %select_n3A_57 = arith.constant true
      %select_n3A_58 = arith.constant 0 : i32
      %select_n3A_59 = arith.select %select_n3A_57, %add3A_56, %select_n3A_58 : i32
      "tpu.trace_stop"() : () -> ()
      %scan3A = arith.constant 0 : i32
      %scan3A_60 = arith.constant 0 : i32
      %scan3A_61 = arith.constant 0 : i32
      %scan3A_62 = arith.constant 0 : i32
      %scan3A_63 = arith.constant 0 : i32
      %scan3A_64 = arith.constant 3 : i32
      %scan3A_65 = arith.addi %scan3A_63, %scan3A_64 : i32
      %scan3A_66 = arith.constant 1 : i32
      %scan3A_67:5 = scf.for %scan3A_121 = %scan3A_63 to %scan3A_65 step %scan3A_66 iter_args(%scan3A_122 = %select_n3A_59, %scan3A_123 = %scan3A, %scan3A_124 = %scan3A_60, %scan3A_125 = %scan3A_61, %scan3A_126 = %scan3A_62) -> (i32, i32, i32, i32, i32)  : i32 {
        %eq3A_127 = arith.constant 0 : i32
        %eq3A_128 = arith.cmpi eq, %scan3A_121, %eq3A_127 : i32
        %eq3A_129 = arith.constant 2 : i32
        %eq3A_130 = arith.cmpi eq, %scan3A_121, %eq3A_129 : i32
        %add3A_131 = arith.addi %scan3A_126, %mul3A_6 : i32
        %sub3A_132 = arith.constant 1 : i32
        %sub3A_133 = arith.subi %scan3A_126, %sub3A_132 : i32
        %select_n3A_134 = arith.constant true
        %select_n3A_135 = arith.select %select_n3A_134, %sub3A_133, %scan3A_126 : i32
        %eq3A_136 = arith.constant -1 : i32
        %eq3A_137 = arith.cmpi eq, %select_n3A_135, %eq3A_136 : i32
        %select_n3A_138 = arith.constant 2 : i32
        %select_n3A_139 = arith.select %eq3A_137, %select_n3A_138, %select_n3A_135 : i32
        %add3A_140 = arith.addi %select_n3A_139, %mul3A_6 : i32
        %add3A_141 = arith.constant 1 : i32
        %add3A_142 = arith.addi %scan3A_126, %add3A_141 : i32
        %select_n3A_143 = arith.constant true
        %select_n3A_144 = arith.select %select_n3A_143, %add3A_142, %scan3A_126 : i32
        %eq3A_145 = arith.constant 3 : i32
        %eq3A_146 = arith.cmpi eq, %select_n3A_144, %eq3A_145 : i32
        %select_n3A_147 = arith.constant 0 : i32
        %select_n3A_148 = arith.select %eq3A_146, %select_n3A_147, %select_n3A_144 : i32
        %add3A_149 = arith.addi %select_n3A_148, %mul3A_6 : i32
        %add3A_150 = arith.constant 1 : i32
        %add3A_151 = arith.addi %select_n3A_148, %add3A_150 : i32
        %select_n3A_152 = arith.constant true
        %select_n3A_153 = arith.select %select_n3A_152, %add3A_151, %select_n3A_148 : i32
        %eq3A_154 = arith.constant 3 : i32
        %eq3A_155 = arith.cmpi eq, %select_n3A_153, %eq3A_154 : i32
        %select_n3A_156 = arith.constant 0 : i32
        %select_n3A_157 = arith.select %eq3A_155, %select_n3A_156, %select_n3A_153 : i32
        %add3A_158 = arith.addi %select_n3A_157, %mul3A_6 : i32
        %ne3A = arith.cmpi ne, %add3A_131, %add3A_149 : i32
        %or3A = arith.constant false
        %or3A_159 = arith.ori %or3A, %ne3A : i1
        %ge3A = arith.constant 2 : i32
        %ge3A_160 = arith.cmpi sge, %scan3A_121, %ge3A : i32
        %not3A = arith.constant true
        %not3A_161 = arith.xori %ge3A_160, %not3A : i1
        %and3A = arith.andi %or3A_159, %not3A_161 : i1
        %convert_element_type3A = arith.extui %and3A : i1 to i32
        %cond3A = arith.constant 0 : i32
        %cond3A_162 = arith.cmpi ne, %convert_element_type3A, %cond3A : i32
        scf.if %cond3A_162 {
          "tpu.trace_start"() <{level = 10 : i32, message = "ep_copy_in"}> : () -> ()
          %rem3A_264 = arith.constant 2 : i32
          %rem3A_265 = arith.remui %scan3A_122, %rem3A_264 : i32
          %mul3A_266 = arith.constant 128 : i32
          %mul3A_267 = arith.muli %mul3A_266, %add3A_149 : i32
          %dma_start3A_268 = arith.constant 0 : i32
          %dma_start3A_269 = arith.constant 0 : i32
          %dma_start3A_270 = tpu.memref_slice %run_scoped3A[%rem3A_265, %dma_start3A_268, %dma_start3A_269] : memref<2x1x128xi32, #tpu.memory_space<vmem>> -> memref<1x1x128xi32, #tpu.memory_space<vmem>>
          %dma_start3A_271 = tpu.memref_squeeze %dma_start3A_270 : memref<1x1x128xi32, #tpu.memory_space<vmem>> -> memref<1x128xi32, #tpu.memory_space<vmem>>
          %dma_start3A_272 = arith.constant 0 : i32
          %dma_start3A_273 = tpu.memref_slice %arg3[%dma_start3A_272, %mul3A_267] : memref<1x16384xi32, #tpu.memory_space<hbm>> -> memref<1x128xi32, #tpu.memory_space<hbm>>
          %dma_start3A_274 = tpu.memref_slice %run_scoped3A_7[%rem3A_265] : memref<2x!tpu.dma_semaphore, #tpu.memory_space<semaphore_mem>> -> memref<1x!tpu.dma_semaphore, #tpu.memory_space<semaphore_mem>>
          %dma_start3A_275 = tpu.memref_squeeze %dma_start3A_274 : memref<1x!tpu.dma_semaphore, #tpu.memory_space<semaphore_mem>> -> memref<!tpu.dma_semaphore, #tpu.memory_space<semaphore_mem>>
          %dma_start3A_276 = arith.constant 0 : i32
          %dma_start3A_277 = arith.constant 0 : i32
          %dma_start3A_278 = tpu.memref_slice %run_scoped3A[%rem3A_265, %dma_start3A_276, %dma_start3A_277] : memref<2x1x128xi32, #tpu.memory_space<vmem>> -> memref<1x1x128xi32, #tpu.memory_space<vmem>>
          %dma_start3A_279 = tpu.memref_squeeze %dma_start3A_278 : memref<1x1x128xi32, #tpu.memory_space<vmem>> -> memref<1x128xi32, #tpu.memory_space<vmem>>
          %dma_start3A_280 = arith.constant 0 : i32
          %dma_start3A_281 = tpu.memref_slice %arg3[%dma_start3A_280, %mul3A_267] : memref<1x16384xi32, #tpu.memory_space<hbm>> -> memref<1x128xi32, #tpu.memory_space<hbm>>
          tpu.enqueue_dma source(%dma_start3A_281 : memref<1x128xi32, #tpu.memory_space<hbm>>) target(%dma_start3A_279 : memref<1x128xi32, #tpu.memory_space<vmem>>) target_semaphore(%dma_start3A_275 : memref<!tpu.dma_semaphore, #tpu.memory_space<semaphore_mem>>)
          "tpu.trace_stop"() : () -> ()
        } else {
        }
        %and3A_163 = arith.constant true
        %and3A_164 = arith.andi %and3A, %and3A_163 : i1
        %add3A_165 = arith.constant 1 : i32
        %add3A_166 = arith.addi %scan3A_122, %add3A_165 : i32
        %select_n3A_167 = arith.select %and3A_164, %add3A_166, %scan3A_122 : i32
        %ne3A_168 = arith.cmpi ne, %add3A_131, %add3A_149 : i32
        %or3A_169 = arith.constant false
        %or3A_170 = arith.ori %or3A_169, %ne3A_168 : i1
        %or3A_171 = arith.constant false
        %or3A_172 = arith.ori %or3A_170, %or3A_171 : i1
        %ge3A_173 = arith.constant 2 : i32
        %ge3A_174 = arith.cmpi sge, %scan3A_121, %ge3A_173 : i32
        %not3A_175 = arith.constant true
        %not3A_176 = arith.xori %ge3A_174, %not3A_175 : i1
        %and3A_177 = arith.andi %or3A_172, %not3A_176 : i1
        %ne3A_178 = arith.cmpi ne, %add3A_131, %add3A_140 : i32
        %or3A_179 = arith.constant false
        %or3A_180 = arith.ori %or3A_179, %ne3A_178 : i1
        %or3A_181 = arith.ori %or3A_180, %eq3A_128 : i1
        %convert_element_type3A_182 = arith.extui %or3A_181 : i1 to i32
        %cond3A_183 = arith.constant 0 : i32
        %cond3A_184 = arith.cmpi ne, %convert_element_type3A_182, %cond3A_183 : i32
        scf.if %cond3A_184 {
          "tpu.trace_start"() <{level = 10 : i32, message = "ep_wait_in"}> : () -> ()
          %mul3A_264 = arith.constant 128 : i32
          %mul3A_265 = arith.muli %mul3A_264, %add3A_131 : i32
          %rem3A_266 = arith.constant 2 : i32
          %rem3A_267 = arith.remui %scan3A_123, %rem3A_266 : i32
          %dma_wait3A_268 = arith.constant 0 : i32
          %dma_wait3A_269 = arith.constant 0 : i32
          %dma_wait3A_270 = tpu.memref_slice %run_scoped3A[%rem3A_267, %dma_wait3A_268, %dma_wait3A_269] : memref<2x1x128xi32, #tpu.memory_space<vmem>> -> memref<1x1x128xi32, #tpu.memory_space<vmem>>
          %dma_wait3A_271 = tpu.memref_squeeze %dma_wait3A_270 : memref<1x1x128xi32, #tpu.memory_space<vmem>> -> memref<1x128xi32, #tpu.memory_space<vmem>>
          %dma_wait3A_272 = arith.constant 0 : i32
          %dma_wait3A_273 = tpu.memref_slice %arg3[%dma_wait3A_272, %mul3A_265] : memref<1x16384xi32, #tpu.memory_space<hbm>> -> memref<1x128xi32, #tpu.memory_space<hbm>>
          %dma_wait3A_274 = tpu.memref_slice %run_scoped3A_7[%rem3A_267] : memref<2x!tpu.dma_semaphore, #tpu.memory_space<semaphore_mem>> -> memref<1x!tpu.dma_semaphore, #tpu.memory_space<semaphore_mem>>
          %dma_wait3A_275 = tpu.memref_squeeze %dma_wait3A_274 : memref<1x!tpu.dma_semaphore, #tpu.memory_space<semaphore_mem>> -> memref<!tpu.dma_semaphore, #tpu.memory_space<semaphore_mem>>
          %dma_wait3A_276 = arith.constant 0 : i32
          %dma_wait3A_277 = arith.constant 0 : i32
          %dma_wait3A_278 = tpu.memref_slice %run_scoped3A[%rem3A_267, %dma_wait3A_276, %dma_wait3A_277] : memref<2x1x128xi32, #tpu.memory_space<vmem>> -> memref<1x1x128xi32, #tpu.memory_space<vmem>>
          %dma_wait3A_279 = tpu.memref_squeeze %dma_wait3A_278 : memref<1x1x128xi32, #tpu.memory_space<vmem>> -> memref<1x128xi32, #tpu.memory_space<vmem>>
          %dma_wait3A_280 = arith.constant 0 : i32
          %dma_wait3A_281 = tpu.memref_slice %arg3[%dma_wait3A_280, %mul3A_265] : memref<1x16384xi32, #tpu.memory_space<hbm>> -> memref<1x128xi32, #tpu.memory_space<hbm>>
          tpu.wait_dma2 semaphore(%dma_wait3A_275 : memref<!tpu.dma_semaphore, #tpu.memory_space<semaphore_mem>>) src(%dma_wait3A_281 : memref<1x128xi32, #tpu.memory_space<hbm>>) dst(%dma_wait3A_279 : memref<1x128xi32, #tpu.memory_space<vmem>>)
          "tpu.trace_stop"() : () -> ()
        } else {
        }
        %ne3A_185 = arith.cmpi ne, %add3A_131, %add3A_140 : i32
        %or3A_186 = arith.constant false
        %or3A_187 = arith.ori %or3A_186, %ne3A_185 : i1
        %or3A_188 = arith.constant false
        %or3A_189 = arith.ori %or3A_187, %or3A_188 : i1
        %or3A_190 = arith.ori %or3A_189, %eq3A_128 : i1
        %convert_element_type3A_191 = arith.extui %or3A_190 : i1 to i32
        %cond3A_192 = arith.constant 0 : i32
        %cond3A_193 = arith.cmpi ne, %convert_element_type3A_191, %cond3A_192 : i32
        scf.if %cond3A_193 {
        } else {
        }
        %rem3A_194 = arith.constant 2 : i32
        %rem3A_195 = arith.remui %scan3A_123, %rem3A_194 : i32
        %rem3A_196 = arith.constant 2 : i32
        %rem3A_197 = arith.remui %scan3A_124, %rem3A_196 : i32
        %run_scoped3A_198 = arith.constant 0 : i32
        "tpu.trace_start"() <{level = 10 : i32, message = "ep_run_kernel"}> : () -> ()
        "tpu.region"() ({
          %run_scoped3A_264 = tpu.sem_alloc : memref<!tpu.dma_semaphore, #tpu.memory_space<semaphore_mem>>
          %dma_start3A_265 = arith.constant 0 : i32
          %dma_start3A_266 = arith.constant 0 : i32
          %dma_start3A_267 = tpu.memref_slice %run_scoped3A_8[%rem3A_197, %dma_start3A_265, %dma_start3A_266] : memref<2x128x256xf32, #tpu.memory_space<vmem>> -> memref<1x128x256xf32, #tpu.memory_space<vmem>>
          %dma_start3A_268 = tpu.memref_squeeze %dma_start3A_267 : memref<1x128x256xf32, #tpu.memory_space<vmem>> -> memref<128x256xf32, #tpu.memory_space<vmem>>
          %dma_start3A_269 = arith.constant 0 : i32
          %dma_start3A_270 = arith.constant 0 : i32
          %dma_start3A_271 = tpu.memref_slice %run_scoped3A[%rem3A_195, %dma_start3A_269, %dma_start3A_270] : memref<2x1x128xi32, #tpu.memory_space<vmem>> -> memref<1x1x128xi32, #tpu.memory_space<vmem>>
          %dma_start3A_272 = tpu.memref_squeeze %dma_start3A_271 : memref<1x1x128xi32, #tpu.memory_space<vmem>> -> memref<1x128xi32, #tpu.memory_space<vmem>>
          %dma_start3A_273 = arith.constant 0 : i32
          %dma_start3A_274 = tpu.memref_slice %dma_start3A_272[%run_scoped3A_198, %dma_start3A_273] : memref<1x128xi32, #tpu.memory_space<vmem>> -> memref<1x128xi32, #tpu.memory_space<vmem>>
          %dma_start3A_275 = tpu.memref_squeeze %dma_start3A_274 : memref<1x128xi32, #tpu.memory_space<vmem>> -> memref<128xi32, #tpu.memory_space<vmem>>
          %dma_start3A_276 = arith.constant 0 : i32
          %dma_start3A_277 = arith.constant 0 : i32
          %dma_start3A_278 = tpu.memref_slice %arg2[%dma_start3A_276, %dma_start3A_277] : memref<2048x256xf32, #tpu.memory_space<hbm>> -> memref<2048x256xf32, #tpu.memory_space<hbm>>
          tpu.enqueue_indirect_dma source(%dma_start3A_278 : memref<2048x256xf32, #tpu.memory_space<hbm>>) target(%dma_start3A_268 : memref<128x256xf32, #tpu.memory_space<vmem>>) offsets(%dma_start3A_275 : memref<128xi32, #tpu.memory_space<vmem>>) semaphore(%run_scoped3A_264 : memref<!tpu.dma_semaphore, #tpu.memory_space<semaphore_mem>>)
          %dma_wait3A_279 = arith.constant 0 : i32
          %dma_wait3A_280 = arith.constant 0 : i32
          %dma_wait3A_281 = tpu.memref_slice %run_scoped3A_8[%rem3A_197, %dma_wait3A_279, %dma_wait3A_280] : memref<2x128x256xf32, #tpu.memory_space<vmem>> -> memref<1x128x256xf32, #tpu.memory_space<vmem>>
          %dma_wait3A_282 = tpu.memref_squeeze %dma_wait3A_281 : memref<1x128x256xf32, #tpu.memory_space<vmem>> -> memref<128x256xf32, #tpu.memory_space<vmem>>
          %dma_wait3A_283 = arith.constant 0 : i32
          %dma_wait3A_284 = arith.constant 0 : i32
          %dma_wait3A_285 = tpu.memref_slice %run_scoped3A[%rem3A_195, %dma_wait3A_283, %dma_wait3A_284] : memref<2x1x128xi32, #tpu.memory_space<vmem>> -> memref<1x1x128xi32, #tpu.memory_space<vmem>>
          %dma_wait3A_286 = tpu.memref_squeeze %dma_wait3A_285 : memref<1x1x128xi32, #tpu.memory_space<vmem>> -> memref<1x128xi32, #tpu.memory_space<vmem>>
          %dma_wait3A_287 = arith.constant 0 : i32
          %dma_wait3A_288 = tpu.memref_slice %dma_wait3A_286[%run_scoped3A_198, %dma_wait3A_287] : memref<1x128xi32, #tpu.memory_space<vmem>> -> memref<1x128xi32, #tpu.memory_space<vmem>>
          %dma_wait3A_289 = tpu.memref_squeeze %dma_wait3A_288 : memref<1x128xi32, #tpu.memory_space<vmem>> -> memref<128xi32, #tpu.memory_space<vmem>>
          %dma_wait3A_290 = arith.constant 0 : i32
          %dma_wait3A_291 = arith.constant 0 : i32
          %dma_wait3A_292 = tpu.memref_slice %arg2[%dma_wait3A_290, %dma_wait3A_291] : memref<2048x256xf32, #tpu.memory_space<hbm>> -> memref<2048x256xf32, #tpu.memory_space<hbm>>
          tpu.wait_indirect_dma semaphore(%run_scoped3A_264 : memref<!tpu.dma_semaphore, #tpu.memory_space<semaphore_mem>>) src(%dma_wait3A_292 : memref<2048x256xf32, #tpu.memory_space<hbm>>) dst(%dma_wait3A_282 : memref<128x256xf32, #tpu.memory_space<vmem>>)
          tpu.yield
        }) : () -> ()
        "tpu.trace_stop"() : () -> ()
        %ne3A_199 = arith.cmpi ne, %add3A_131, %add3A_149 : i32
        %or3A_200 = arith.constant false
        %or3A_201 = arith.ori %or3A_200, %ne3A_199 : i1
        %or3A_202 = arith.ori %or3A_201, %eq3A_130 : i1
        %convert_element_type3A_203 = arith.extui %or3A_202 : i1 to i32
        %cond3A_204 = arith.constant 0 : i32
        %cond3A_205 = arith.cmpi ne, %convert_element_type3A_203, %cond3A_204 : i32
        scf.if %cond3A_205 {
        } else {
        }
        %and3A_206 = arith.constant false
        %and3A_207 = arith.andi %or3A_202, %and3A_206 : i1
        %ne3A_208 = arith.cmpi ne, %add3A_131, %add3A_149 : i32
        %or3A_209 = arith.constant false
        %or3A_210 = arith.ori %or3A_209, %ne3A_208 : i1
        %or3A_211 = arith.constant false
        %or3A_212 = arith.ori %or3A_210, %or3A_211 : i1
        %or3A_213 = arith.ori %or3A_212, %eq3A_130 : i1
        %convert_element_type3A_214 = arith.extui %or3A_213 : i1 to i32
        %cond3A_215 = arith.constant 0 : i32
        %cond3A_216 = arith.cmpi ne, %convert_element_type3A_214, %cond3A_215 : i32
        scf.if %cond3A_216 {
          "tpu.trace_start"() <{level = 10 : i32, message = "ep_copy_out"}> : () -> ()
          %rem3A_264 = arith.constant 2 : i32
          %rem3A_265 = arith.remui %scan3A_124, %rem3A_264 : i32
          %mul3A_266 = arith.constant 128 : i32
          %mul3A_267 = arith.muli %mul3A_266, %add3A_131 : i32
          %dma_start3A_268 = arith.constant 0 : i32
          %dma_start3A_269 = arith.constant 0 : i32
          %dma_start3A_270 = tpu.memref_slice %run_scoped3A_8[%rem3A_265, %dma_start3A_268, %dma_start3A_269] : memref<2x128x256xf32, #tpu.memory_space<vmem>> -> memref<1x128x256xf32, #tpu.memory_space<vmem>>
          %dma_start3A_271 = tpu.memref_squeeze %dma_start3A_270 : memref<1x128x256xf32, #tpu.memory_space<vmem>> -> memref<128x256xf32, #tpu.memory_space<vmem>>
          %dma_start3A_272 = arith.constant 0 : i32
          %dma_start3A_273 = tpu.memref_slice %arg4[%mul3A_267, %dma_start3A_272] : memref<12288x256xf32, #tpu.memory_space<hbm>> -> memref<128x256xf32, #tpu.memory_space<hbm>>
          %dma_start3A_274 = tpu.memref_slice %run_scoped3A_9[%rem3A_265] : memref<2x!tpu.dma_semaphore, #tpu.memory_space<semaphore_mem>> -> memref<1x!tpu.dma_semaphore, #tpu.memory_space<semaphore_mem>>
          %dma_start3A_275 = tpu.memref_squeeze %dma_start3A_274 : memref<1x!tpu.dma_semaphore, #tpu.memory_space<semaphore_mem>> -> memref<!tpu.dma_semaphore, #tpu.memory_space<semaphore_mem>>
          %dma_start3A_276 = arith.constant 0 : i32
          %dma_start3A_277 = tpu.memref_slice %arg4[%mul3A_267, %dma_start3A_276] : memref<12288x256xf32, #tpu.memory_space<hbm>> -> memref<128x256xf32, #tpu.memory_space<hbm>>
          %dma_start3A_278 = arith.constant 0 : i32
          %dma_start3A_279 = arith.constant 0 : i32
          %dma_start3A_280 = tpu.memref_slice %run_scoped3A_8[%rem3A_265, %dma_start3A_278, %dma_start3A_279] : memref<2x128x256xf32, #tpu.memory_space<vmem>> -> memref<1x128x256xf32, #tpu.memory_space<vmem>>
          %dma_start3A_281 = tpu.memref_squeeze %dma_start3A_280 : memref<1x128x256xf32, #tpu.memory_space<vmem>> -> memref<128x256xf32, #tpu.memory_space<vmem>>
          tpu.enqueue_dma source(%dma_start3A_281 : memref<128x256xf32, #tpu.memory_space<vmem>>) target(%dma_start3A_277 : memref<128x256xf32, #tpu.memory_space<hbm>>) target_semaphore(%dma_start3A_275 : memref<!tpu.dma_semaphore, #tpu.memory_space<semaphore_mem>>)
          "tpu.trace_stop"() : () -> ()
        } else {
        }
        %and3A_217 = arith.constant true
        %and3A_218 = arith.andi %or3A_213, %and3A_217 : i1
        %add3A_219 = arith.constant 1 : i32
        %add3A_220 = arith.addi %scan3A_124, %add3A_219 : i32
        %select_n3A_221 = arith.select %and3A_218, %add3A_220, %scan3A_124 : i32
        %ne3A_222 = arith.cmpi ne, %add3A_131, %add3A_140 : i32
        %or3A_223 = arith.constant false
        %or3A_224 = arith.ori %or3A_223, %ne3A_222 : i1
        %not3A_225 = arith.constant true
        %not3A_226 = arith.xori %eq3A_128, %not3A_225 : i1
        %and3A_227 = arith.andi %or3A_224, %not3A_226 : i1
        %convert_element_type3A_228 = arith.extui %and3A_227 : i1 to i32
        %cond3A_229 = arith.constant 0 : i32
        %cond3A_230 = arith.cmpi ne, %convert_element_type3A_228, %cond3A_229 : i32
        scf.if %cond3A_230 {
        } else {
        }
        %and3A_231 = arith.constant false
        %and3A_232 = arith.andi %and3A_227, %and3A_231 : i1
        %ne3A_233 = arith.cmpi ne, %add3A_131, %add3A_140 : i32
        %or3A_234 = arith.constant false
        %or3A_235 = arith.ori %or3A_234, %ne3A_233 : i1
        %or3A_236 = arith.constant false
        %or3A_237 = arith.ori %or3A_235, %or3A_236 : i1
        %not3A_238 = arith.constant true
        %not3A_239 = arith.xori %eq3A_128, %not3A_238 : i1
        %and3A_240 = arith.andi %or3A_237, %not3A_239 : i1
        %convert_element_type3A_241 = arith.extui %and3A_240 : i1 to i32
        %cond3A_242 = arith.constant 0 : i32
        %cond3A_243 = arith.cmpi ne, %convert_element_type3A_241, %cond3A_242 : i32
        scf.if %cond3A_243 {
          "tpu.trace_start"() <{level = 10 : i32, message = "ep_wait_out"}> : () -> ()
          %rem3A_264 = arith.constant 2 : i32
          %rem3A_265 = arith.remui %scan3A_125, %rem3A_264 : i32
          %mul3A_266 = arith.constant 128 : i32
          %mul3A_267 = arith.muli %mul3A_266, %add3A_140 : i32
          %dma_wait3A_268 = arith.constant 0 : i32
          %dma_wait3A_269 = arith.constant 0 : i32
          %dma_wait3A_270 = tpu.memref_slice %run_scoped3A_8[%rem3A_265, %dma_wait3A_268, %dma_wait3A_269] : memref<2x128x256xf32, #tpu.memory_space<vmem>> -> memref<1x128x256xf32, #tpu.memory_space<vmem>>
          %dma_wait3A_271 = tpu.memref_squeeze %dma_wait3A_270 : memref<1x128x256xf32, #tpu.memory_space<vmem>> -> memref<128x256xf32, #tpu.memory_space<vmem>>
          %dma_wait3A_272 = arith.constant 0 : i32
          %dma_wait3A_273 = tpu.memref_slice %arg4[%mul3A_267, %dma_wait3A_272] : memref<12288x256xf32, #tpu.memory_space<hbm>> -> memref<128x256xf32, #tpu.memory_space<hbm>>
          %dma_wait3A_274 = tpu.memref_slice %run_scoped3A_9[%rem3A_265] : memref<2x!tpu.dma_semaphore, #tpu.memory_space<semaphore_mem>> -> memref<1x!tpu.dma_semaphore, #tpu.memory_space<semaphore_mem>>
          %dma_wait3A_275 = tpu.memref_squeeze %dma_wait3A_274 : memref<1x!tpu.dma_semaphore, #tpu.memory_space<semaphore_mem>> -> memref<!tpu.dma_semaphore, #tpu.memory_space<semaphore_mem>>
          %dma_wait3A_276 = arith.constant 0 : i32
          %dma_wait3A_277 = tpu.memref_slice %arg4[%mul3A_267, %dma_wait3A_276] : memref<12288x256xf32, #tpu.memory_space<hbm>> -> memref<128x256xf32, #tpu.memory_space<hbm>>
          %dma_wait3A_278 = arith.constant 0 : i32
          %dma_wait3A_279 = arith.constant 0 : i32
          %dma_wait3A_280 = tpu.memref_slice %run_scoped3A_8[%rem3A_265, %dma_wait3A_278, %dma_wait3A_279] : memref<2x128x256xf32, #tpu.memory_space<vmem>> -> memref<1x128x256xf32, #tpu.memory_space<vmem>>
          %dma_wait3A_281 = tpu.memref_squeeze %dma_wait3A_280 : memref<1x128x256xf32, #tpu.memory_space<vmem>> -> memref<128x256xf32, #tpu.memory_space<vmem>>
          tpu.wait_dma2 semaphore(%dma_wait3A_275 : memref<!tpu.dma_semaphore, #tpu.memory_space<semaphore_mem>>) src(%dma_wait3A_281 : memref<128x256xf32, #tpu.memory_space<vmem>>) dst(%dma_wait3A_277 : memref<128x256xf32, #tpu.memory_space<hbm>>)
          "tpu.trace_stop"() : () -> ()
        } else {
        }
        %and3A_244 = arith.constant true
        %and3A_245 = arith.andi %and3A_240, %and3A_244 : i1
        %add3A_246 = arith.constant 1 : i32
        %add3A_247 = arith.addi %scan3A_125, %add3A_246 : i32
        %select_n3A_248 = arith.select %and3A_245, %add3A_247, %scan3A_125 : i32
        %ne3A_249 = arith.cmpi ne, %add3A_131, %add3A_149 : i32
        %or3A_250 = arith.constant false
        %or3A_251 = arith.ori %or3A_250, %ne3A_249 : i1
        %or3A_252 = arith.ori %or3A_251, %eq3A_130 : i1
        %add3A_253 = arith.constant 1 : i32
        %add3A_254 = arith.addi %scan3A_123, %add3A_253 : i32
        %select_n3A_255 = arith.select %or3A_252, %add3A_254, %scan3A_123 : i32
        %add3A_256 = arith.constant 1 : i32
        %add3A_257 = arith.addi %scan3A_126, %add3A_256 : i32
        %select_n3A_258 = arith.constant true
        %select_n3A_259 = arith.select %select_n3A_258, %add3A_257, %scan3A_126 : i32
        %eq3A_260 = arith.constant 3 : i32
        %eq3A_261 = arith.cmpi eq, %select_n3A_259, %eq3A_260 : i32
        %select_n3A_262 = arith.constant 0 : i32
        %select_n3A_263 = arith.select %eq3A_261, %select_n3A_262, %select_n3A_259 : i32
        scf.yield %select_n3A_167, %select_n3A_255, %select_n3A_221, %select_n3A_248, %select_n3A_263 : i32, i32, i32, i32, i32
      }
      %scan3A_68 = arith.constant 3 : i32
      %sub3A = arith.constant 1 : i32
      %sub3A_69 = arith.subi %scan3A_67#4, %sub3A : i32
      %select_n3A_70 = arith.constant true
      %select_n3A_71 = arith.select %select_n3A_70, %sub3A_69, %scan3A_67#4 : i32
      %eq3A_72 = arith.constant -1 : i32
      %eq3A_73 = arith.cmpi eq, %select_n3A_71, %eq3A_72 : i32
      %select_n3A_74 = arith.constant 2 : i32
      %select_n3A_75 = arith.select %eq3A_73, %select_n3A_74, %select_n3A_71 : i32
      %add3A_76 = arith.addi %select_n3A_75, %mul3A_6 : i32
      %sub3A_77 = arith.constant 1 : i32
      %sub3A_78 = arith.subi %select_n3A_75, %sub3A_77 : i32
      %select_n3A_79 = arith.constant true
      %select_n3A_80 = arith.select %select_n3A_79, %sub3A_78, %select_n3A_75 : i32
      %eq3A_81 = arith.constant -1 : i32
      %eq3A_82 = arith.cmpi eq, %select_n3A_80, %eq3A_81 : i32
      %select_n3A_83 = arith.constant 2 : i32
      %select_n3A_84 = arith.select %eq3A_82, %select_n3A_83, %select_n3A_80 : i32
      %add3A_85 = arith.addi %select_n3A_84, %mul3A_6 : i32
      %add3A_86 = arith.constant 1 : i32
      %add3A_87 = arith.addi %select_n3A_75, %add3A_86 : i32
      %select_n3A_88 = arith.constant true
      %select_n3A_89 = arith.select %select_n3A_88, %add3A_87, %select_n3A_75 : i32
      %eq3A_90 = arith.constant 3 : i32
      %eq3A_91 = arith.cmpi eq, %select_n3A_89, %eq3A_90 : i32
      %select_n3A_92 = arith.constant 0 : i32
      %select_n3A_93 = arith.select %eq3A_91, %select_n3A_92, %select_n3A_89 : i32
      %add3A_94 = arith.addi %select_n3A_93, %mul3A_6 : i32
      %add3A_95 = arith.constant 1 : i32
      %add3A_96 = arith.addi %select_n3A_93, %add3A_95 : i32
      %select_n3A_97 = arith.constant true
      %select_n3A_98 = arith.select %select_n3A_97, %add3A_96, %select_n3A_93 : i32
      %eq3A_99 = arith.constant 3 : i32
      %eq3A_100 = arith.cmpi eq, %select_n3A_98, %eq3A_99 : i32
      %select_n3A_101 = arith.constant 0 : i32
      %select_n3A_102 = arith.select %eq3A_100, %select_n3A_101, %select_n3A_98 : i32
      %add3A_103 = arith.addi %select_n3A_102, %mul3A_6 : i32
      "tpu.trace_start"() <{level = 10 : i32, message = "ep_finalize"}> : () -> ()
      %rem3A_104 = arith.constant 2 : i32
      %rem3A_105 = arith.remui %scan3A_67#3, %rem3A_104 : i32
      %mul3A_106 = arith.constant 128 : i32
      %mul3A_107 = arith.muli %mul3A_106, %add3A_76 : i32
      %dma_wait3A = arith.constant 0 : i32
      %dma_wait3A_108 = arith.constant 0 : i32
      %dma_wait3A_109 = tpu.memref_slice %run_scoped3A_8[%rem3A_105, %dma_wait3A, %dma_wait3A_108] : memref<2x128x256xf32, #tpu.memory_space<vmem>> -> memref<1x128x256xf32, #tpu.memory_space<vmem>>
      %dma_wait3A_110 = tpu.memref_squeeze %dma_wait3A_109 : memref<1x128x256xf32, #tpu.memory_space<vmem>> -> memref<128x256xf32, #tpu.memory_space<vmem>>
      %dma_wait3A_111 = arith.constant 0 : i32
      %dma_wait3A_112 = tpu.memref_slice %arg4[%mul3A_107, %dma_wait3A_111] : memref<12288x256xf32, #tpu.memory_space<hbm>> -> memref<128x256xf32, #tpu.memory_space<hbm>>
      %dma_wait3A_113 = tpu.memref_slice %run_scoped3A_9[%rem3A_105] : memref<2x!tpu.dma_semaphore, #tpu.memory_space<semaphore_mem>> -> memref<1x!tpu.dma_semaphore, #tpu.memory_space<semaphore_mem>>
      %dma_wait3A_114 = tpu.memref_squeeze %dma_wait3A_113 : memref<1x!tpu.dma_semaphore, #tpu.memory_space<semaphore_mem>> -> memref<!tpu.dma_semaphore, #tpu.memory_space<semaphore_mem>>
      %dma_wait3A_115 = arith.constant 0 : i32
      %dma_wait3A_116 = tpu.memref_slice %arg4[%mul3A_107, %dma_wait3A_115] : memref<12288x256xf32, #tpu.memory_space<hbm>> -> memref<128x256xf32, #tpu.memory_space<hbm>>
      %dma_wait3A_117 = arith.constant 0 : i32
      %dma_wait3A_118 = arith.constant 0 : i32
      %dma_wait3A_119 = tpu.memref_slice %run_scoped3A_8[%rem3A_105, %dma_wait3A_117, %dma_wait3A_118] : memref<2x128x256xf32, #tpu.memory_space<vmem>> -> memref<1x128x256xf32, #tpu.memory_space<vmem>>
      %dma_wait3A_120 = tpu.memref_squeeze %dma_wait3A_119 : memref<1x128x256xf32, #tpu.memory_space<vmem>> -> memref<128x256xf32, #tpu.memory_space<vmem>>
      tpu.wait_dma2 semaphore(%dma_wait3A_114 : memref<!tpu.dma_semaphore, #tpu.memory_space<semaphore_mem>>) src(%dma_wait3A_120 : memref<128x256xf32, #tpu.memory_space<vmem>>) dst(%dma_wait3A_116 : memref<128x256xf32, #tpu.memory_space<hbm>>)
      "tpu.trace_stop"() : () -> ()
      tpu.yield
    }) : () -> ()
    return
  }
}

module attributes {stable_mosaic.version = 14 : i64} {
  func.func @_top3_kernel(%arg0: i32, %arg1: memref<512x3xf32, #tpu.memory_space<vmem>>, %arg2: memref<8x2048xf32, #tpu.memory_space<vmem>>, %arg3: memref<4x512xi32, #tpu.memory_space<vmem>>, %arg4: memref<512x8xf32, #tpu.memory_space<vmem>>) attributes {dimension_semantics = [#tpu.dimension_semantics<arbitrary>], iteration_bounds = array<i64: 8>, scalar_prefetch = 0 : i64, scratch_operands = 0 : i64, tpu.core_type = #tpu.core_type<tc>, window_params = [{transform_indices = @transform_0, window_bounds = array<i64: 512, 3>}, {pipeline_mode = #tpu.pipeline_mode<synchronous>, transform_indices = @transform_1, window_bounds = array<i64: 8, 2048>}, {transform_indices = @transform_2, window_bounds = array<i64: 4, 512>}, {transform_indices = @transform_3, window_bounds = array<i64: 512, 8>}]} {
    %get3A = arith.constant 0 : index
    %get3A_0 = arith.constant 0 : index
    %get3A_1 = vector.load %arg1[%get3A, %get3A_0] : memref<512x3xf32, #tpu.memory_space<vmem>>, vector<512x3xf32>
    %slice3A = vector.extract_strided_slice %get3A_1 {offsets = [0, 0], sizes = [512, 1], strides = [1, 1]} : vector<512x3xf32> to vector<512x1xf32>
    %squeeze3A = vector.shape_cast %slice3A : vector<512x1xf32> to vector<512xf32>
    %broadcast_in_dim3A = vector.shape_cast %squeeze3A : vector<512xf32> to vector<512x1xf32>
    %get3A_2 = arith.constant 0 : index
    %get3A_3 = arith.constant 0 : index
    %get3A_4 = vector.load %arg2[%get3A_2, %get3A_3] : memref<8x2048xf32, #tpu.memory_space<vmem>>, vector<1x2048xf32>
    %get3A_5 = vector.shape_cast %get3A_4 : vector<1x2048xf32> to vector<2048xf32>
    %broadcast_in_dim3A_6 = vector.shape_cast %get3A_5 : vector<2048xf32> to vector<1x2048xf32>
    %sub3A = vector.broadcast %broadcast_in_dim3A : vector<512x1xf32> to vector<512x2048xf32>
    %sub3A_7 = vector.broadcast %broadcast_in_dim3A_6 : vector<1x2048xf32> to vector<512x2048xf32>
    %sub3A_8 = arith.subf %sub3A, %sub3A_7 : vector<512x2048xf32>
    %mul3A = arith.mulf %sub3A_8, %sub3A_8 : vector<512x2048xf32>
    %slice3A_9 = vector.extract_strided_slice %get3A_1 {offsets = [0, 1], sizes = [512, 1], strides = [1, 1]} : vector<512x3xf32> to vector<512x1xf32>
    %squeeze3A_10 = vector.shape_cast %slice3A_9 : vector<512x1xf32> to vector<512xf32>
    %broadcast_in_dim3A_11 = vector.shape_cast %squeeze3A_10 : vector<512xf32> to vector<512x1xf32>
    %get3A_12 = arith.constant 1 : index
    %get3A_13 = arith.constant 0 : index
    %get3A_14 = vector.load %arg2[%get3A_12, %get3A_13] : memref<8x2048xf32, #tpu.memory_space<vmem>>, vector<1x2048xf32>
    %get3A_15 = vector.shape_cast %get3A_14 : vector<1x2048xf32> to vector<2048xf32>
    %broadcast_in_dim3A_16 = vector.shape_cast %get3A_15 : vector<2048xf32> to vector<1x2048xf32>
    %sub3A_17 = vector.broadcast %broadcast_in_dim3A_11 : vector<512x1xf32> to vector<512x2048xf32>
    %sub3A_18 = vector.broadcast %broadcast_in_dim3A_16 : vector<1x2048xf32> to vector<512x2048xf32>
    %sub3A_19 = arith.subf %sub3A_17, %sub3A_18 : vector<512x2048xf32>
    %mul3A_20 = arith.mulf %sub3A_19, %sub3A_19 : vector<512x2048xf32>
    %add3A = arith.addf %mul3A, %mul3A_20 : vector<512x2048xf32>
    %slice3A_21 = vector.extract_strided_slice %get3A_1 {offsets = [0, 2], sizes = [512, 1], strides = [1, 1]} : vector<512x3xf32> to vector<512x1xf32>
    %squeeze3A_22 = vector.shape_cast %slice3A_21 : vector<512x1xf32> to vector<512xf32>
    %broadcast_in_dim3A_23 = vector.shape_cast %squeeze3A_22 : vector<512xf32> to vector<512x1xf32>
    %get3A_24 = arith.constant 2 : index
    %get3A_25 = arith.constant 0 : index
    %get3A_26 = vector.load %arg2[%get3A_24, %get3A_25] : memref<8x2048xf32, #tpu.memory_space<vmem>>, vector<1x2048xf32>
    %get3A_27 = vector.shape_cast %get3A_26 : vector<1x2048xf32> to vector<2048xf32>
    %broadcast_in_dim3A_28 = vector.shape_cast %get3A_27 : vector<2048xf32> to vector<1x2048xf32>
    %sub3A_29 = vector.broadcast %broadcast_in_dim3A_23 : vector<512x1xf32> to vector<512x2048xf32>
    %sub3A_30 = vector.broadcast %broadcast_in_dim3A_28 : vector<1x2048xf32> to vector<512x2048xf32>
    %sub3A_31 = arith.subf %sub3A_29, %sub3A_30 : vector<512x2048xf32>
    %mul3A_32 = arith.mulf %sub3A_31, %sub3A_31 : vector<512x2048xf32>
    %add3A_33 = arith.addf %add3A, %mul3A_32 : vector<512x2048xf32>
    %iota3A = tpu.iota {dimensions = array<i32: 1>} : vector<512x2048xi32>
    %convert_element_type3A = arith.sitofp %iota3A : vector<512x2048xi32> to vector<512x2048xf32>
    %reduce_min3A = arith.constant dense<0x7F800000> : vector<512xf32>
    %reduce_min3A_34 = vector.multi_reduction <minimumf>, %add3A_33, %reduce_min3A [1] : vector<512x2048xf32> to vector<512xf32>
    %broadcast_in_dim3A_35 = vector.shape_cast %reduce_min3A_34 : vector<512xf32> to vector<512x1xf32>
    %eq3A = vector.broadcast %broadcast_in_dim3A_35 : vector<512x1xf32> to vector<512x2048xf32>
    %eq3A_36 = arith.cmpf oeq, %add3A_33, %eq3A : vector<512x2048xf32>
    %jit3A = arith.constant 2.048000e+03 : f32
    %broadcast_in_dim3A_37 = vector.broadcast %jit3A : f32 to vector<512x2048xf32>
    %select_n3A = arith.select %eq3A_36, %convert_element_type3A, %broadcast_in_dim3A_37 : vector<512x2048xi1>, vector<512x2048xf32>
    %reduce_min3A_38 = arith.constant dense<0x7F800000> : vector<512xf32>
    %reduce_min3A_39 = vector.multi_reduction <minimumf>, %select_n3A, %reduce_min3A_38 [1] : vector<512x2048xf32> to vector<512xf32>
    %jit3A_40 = arith.constant 3.000000e+38 : f32
    %broadcast_in_dim3A_41 = vector.broadcast %jit3A_40 : f32 to vector<512x2048xf32>
    %select_n3A_42 = arith.select %eq3A_36, %broadcast_in_dim3A_41, %add3A_33 : vector<512x2048xi1>, vector<512x2048xf32>
    %reduce_min3A_43 = arith.constant dense<0x7F800000> : vector<512xf32>
    %reduce_min3A_44 = vector.multi_reduction <minimumf>, %select_n3A_42, %reduce_min3A_43 [1] : vector<512x2048xf32> to vector<512xf32>
    %broadcast_in_dim3A_45 = vector.shape_cast %reduce_min3A_44 : vector<512xf32> to vector<512x1xf32>
    %eq3A_46 = vector.broadcast %broadcast_in_dim3A_45 : vector<512x1xf32> to vector<512x2048xf32>
    %eq3A_47 = arith.cmpf oeq, %select_n3A_42, %eq3A_46 : vector<512x2048xf32>
    %jit3A_48 = arith.constant 2.048000e+03 : f32
    %broadcast_in_dim3A_49 = vector.broadcast %jit3A_48 : f32 to vector<512x2048xf32>
    %select_n3A_50 = arith.select %eq3A_47, %convert_element_type3A, %broadcast_in_dim3A_49 : vector<512x2048xi1>, vector<512x2048xf32>
    %reduce_min3A_51 = arith.constant dense<0x7F800000> : vector<512xf32>
    %reduce_min3A_52 = vector.multi_reduction <minimumf>, %select_n3A_50, %reduce_min3A_51 [1] : vector<512x2048xf32> to vector<512xf32>
    %jit3A_53 = arith.constant 3.000000e+38 : f32
    %broadcast_in_dim3A_54 = vector.broadcast %jit3A_53 : f32 to vector<512x2048xf32>
    %select_n3A_55 = arith.select %eq3A_47, %broadcast_in_dim3A_54, %select_n3A_42 : vector<512x2048xi1>, vector<512x2048xf32>
    %reduce_min3A_56 = arith.constant dense<0x7F800000> : vector<512xf32>
    %reduce_min3A_57 = vector.multi_reduction <minimumf>, %select_n3A_55, %reduce_min3A_56 [1] : vector<512x2048xf32> to vector<512xf32>
    %broadcast_in_dim3A_58 = vector.shape_cast %reduce_min3A_57 : vector<512xf32> to vector<512x1xf32>
    %eq3A_59 = vector.broadcast %broadcast_in_dim3A_58 : vector<512x1xf32> to vector<512x2048xf32>
    %eq3A_60 = arith.cmpf oeq, %select_n3A_55, %eq3A_59 : vector<512x2048xf32>
    %jit3A_61 = arith.constant 2.048000e+03 : f32
    %broadcast_in_dim3A_62 = vector.broadcast %jit3A_61 : f32 to vector<512x2048xf32>
    %select_n3A_63 = arith.select %eq3A_60, %convert_element_type3A, %broadcast_in_dim3A_62 : vector<512x2048xi1>, vector<512x2048xf32>
    %reduce_min3A_64 = arith.constant dense<0x7F800000> : vector<512xf32>
    %reduce_min3A_65 = vector.multi_reduction <minimumf>, %select_n3A_63, %reduce_min3A_64 [1] : vector<512x2048xf32> to vector<512xf32>
    %max3A = arith.constant 9.99999996E-13 : f32
    %max3A_66 = vector.broadcast %max3A : f32 to vector<512xf32>
    %max3A_67 = arith.maximumf %reduce_min3A_34, %max3A_66 : vector<512xf32>
    %div3A = arith.constant 1.000000e+00 : f32
    %div3A_68 = vector.broadcast %div3A : f32 to vector<512xf32>
    %div3A_69 = arith.divf %div3A_68, %max3A_67 : vector<512xf32>
    %max3A_70 = arith.constant 9.99999996E-13 : f32
    %max3A_71 = vector.broadcast %max3A_70 : f32 to vector<512xf32>
    %max3A_72 = arith.maximumf %reduce_min3A_44, %max3A_71 : vector<512xf32>
    %div3A_73 = arith.constant 1.000000e+00 : f32
    %div3A_74 = vector.broadcast %div3A_73 : f32 to vector<512xf32>
    %div3A_75 = arith.divf %div3A_74, %max3A_72 : vector<512xf32>
    %max3A_76 = arith.constant 9.99999996E-13 : f32
    %max3A_77 = vector.broadcast %max3A_76 : f32 to vector<512xf32>
    %max3A_78 = arith.maximumf %reduce_min3A_57, %max3A_77 : vector<512xf32>
    %div3A_79 = arith.constant 1.000000e+00 : f32
    %div3A_80 = vector.broadcast %div3A_79 : f32 to vector<512xf32>
    %div3A_81 = arith.divf %div3A_80, %max3A_78 : vector<512xf32>
    %add3A_82 = arith.addf %div3A_69, %div3A_75 : vector<512xf32>
    %add3A_83 = arith.addf %add3A_82, %div3A_81 : vector<512xf32>
    %div3A_84 = arith.divf %div3A_69, %add3A_83 : vector<512xf32>
    %swap3A = arith.constant 0 : index
    %swap3A_85 = arith.constant 0 : index
    %swap3A_86 = vector.load %arg4[%swap3A, %swap3A_85] : memref<512x8xf32, #tpu.memory_space<vmem>>, vector<512x1xf32>
    %swap3A_87 = vector.shape_cast %swap3A_86 : vector<512x1xf32> to vector<512xf32>
    %swap3A_88 = vector.shape_cast %div3A_84 : vector<512xf32> to vector<512x1xf32>
    tpu.vector_store %arg4[%swap3A, %swap3A_85], %swap3A_88 {strides = array<i32>} : memref<512x8xf32, #tpu.memory_space<vmem>>, vector<512x1xf32>,
    %div3A_89 = arith.divf %div3A_75, %add3A_83 : vector<512xf32>
    %swap3A_90 = arith.constant 0 : index
    %swap3A_91 = arith.constant 1 : index
    %swap3A_92 = vector.load %arg4[%swap3A_90, %swap3A_91] : memref<512x8xf32, #tpu.memory_space<vmem>>, vector<512x1xf32>
    %swap3A_93 = vector.shape_cast %swap3A_92 : vector<512x1xf32> to vector<512xf32>
    %swap3A_94 = vector.shape_cast %div3A_89 : vector<512xf32> to vector<512x1xf32>
    tpu.vector_store %arg4[%swap3A_90, %swap3A_91], %swap3A_94 {strides = array<i32>} : memref<512x8xf32, #tpu.memory_space<vmem>>, vector<512x1xf32>,
    %div3A_95 = arith.divf %div3A_81, %add3A_83 : vector<512xf32>
    %swap3A_96 = arith.constant 0 : index
    %swap3A_97 = arith.constant 2 : index
    %swap3A_98 = vector.load %arg4[%swap3A_96, %swap3A_97] : memref<512x8xf32, #tpu.memory_space<vmem>>, vector<512x1xf32>
    %swap3A_99 = vector.shape_cast %swap3A_98 : vector<512x1xf32> to vector<512xf32>
    %swap3A_100 = vector.shape_cast %div3A_95 : vector<512xf32> to vector<512x1xf32>
    tpu.vector_store %arg4[%swap3A_96, %swap3A_97], %swap3A_100 {strides = array<i32>} : memref<512x8xf32, #tpu.memory_space<vmem>>, vector<512x1xf32>,
    %stack3A = vector.shape_cast %reduce_min3A_39 : vector<512xf32> to vector<512x1xf32>
    %stack3A_101 = vector.shape_cast %reduce_min3A_52 : vector<512xf32> to vector<512x1xf32>
    %stack3A_102 = vector.shape_cast %reduce_min3A_65 : vector<512xf32> to vector<512x1xf32>
    %stack3A_103 = vector.shape_cast %reduce_min3A_39 : vector<512xf32> to vector<512x1xf32>
    %stack3A_104 = tpu.concatenate %stack3A, %stack3A_101, %stack3A_102, %stack3A_103 in 1 : vector<512x1xf32>, vector<512x1xf32>, vector<512x1xf32>, vector<512x1xf32> -> vector<512x4xf32>
    %transpose3A = tpu.transpose %stack3A_104, [1, 0] : vector<512x4xf32> -> vector<4x512xf32>
    %convert_element_type3A_105 = arith.fptosi %transpose3A : vector<4x512xf32> to vector<4x512xi32>
    %swap3A_106 = arith.constant 0 : index
    %swap3A_107 = arith.constant 0 : index
    %swap3A_108 = vector.load %arg3[%swap3A_106, %swap3A_107] : memref<4x512xi32, #tpu.memory_space<vmem>>, vector<4x512xi32>
    tpu.vector_store %arg3[%swap3A_106, %swap3A_107], %convert_element_type3A_105 {strides = array<i32>} : memref<4x512xi32, #tpu.memory_space<vmem>>, vector<4x512xi32>,
    return
  }
  func.func @transform_0(%arg0: i32) -> (i32, i32) {
    %c0_i32 = arith.constant 0 : i32
    %c0_i32_0 = arith.constant 0 : i32
    return %arg0, %c0_i32 : i32, i32
  }
  func.func @transform_1(%arg0: i32) -> (i32, i32) {
    %c0_i32 = arith.constant 0 : i32
    %c0_i32_0 = arith.constant 0 : i32
    %c0_i32_1 = arith.constant 0 : i32
    return %c0_i32, %c0_i32_0 : i32, i32
  }
  func.func @transform_2(%arg0: i32) -> (i32, i32) {
    %c0_i32 = arith.constant 0 : i32
    %c0_i32_0 = arith.constant 0 : i32
    return %c0_i32, %arg0 : i32, i32
  }
  func.func @transform_3(%arg0: i32) -> (i32, i32) {
    %c0_i32 = arith.constant 0 : i32
    %c0_i32_0 = arith.constant 0 : i32
    return %arg0, %c0_i32 : i32, i32
  }
}

module attributes {stable_mosaic.version = 14 : i64} {
  func.func @_mlp_kernel(%arg0: i32, %arg1: i32, %arg2: memref<3x512x256xf32, #tpu.memory_space<vmem>>, %arg3: memref<3x512x256xf32, #tpu.memory_space<vmem>>, %arg4: memref<512x8xf32, #tpu.memory_space<vmem>>, %arg5: memref<512x8xf32, #tpu.memory_space<vmem>>, %arg6: memref<512x3xf32, #tpu.memory_space<vmem>>, %arg7: memref<512x128xf32, #tpu.memory_space<vmem>>, %arg8: memref<512x512xf32, #tpu.memory_space<vmem>>, %arg9: memref<1x512xf32, #tpu.memory_space<vmem>>, %arg10: memref<512x512xf32, #tpu.memory_space<vmem>>, %arg11: memref<1x512xf32, #tpu.memory_space<vmem>>, %arg12: memref<256x512xf32, #tpu.memory_space<vmem>>, %arg13: memref<1x256xf32, #tpu.memory_space<vmem>>, %arg14: memref<1x512xf32, #tpu.memory_space<vmem>>, %arg15: memref<1x512xf32, #tpu.memory_space<vmem>>, %arg16: memref<1x512xf32, #tpu.memory_space<vmem>>, %arg17: memref<1x512xf32, #tpu.memory_space<vmem>>, %arg18: memref<512x256xf32, #tpu.memory_space<vmem>>, %arg19: memref<8192x512xf32, #tpu.memory_space<vmem>>, %arg20: memref<512x256xf32, #tpu.memory_space<vmem>>, %arg21: memref<8x512xf32, #tpu.memory_space<vmem>>, %arg22: memref<8x512xf32, #tpu.memory_space<vmem>>, %arg23: memref<8x512xf32, #tpu.memory_space<vmem>>, %arg24: memref<8x512xf32, #tpu.memory_space<vmem>>) attributes {dimension_semantics = [#tpu.dimension_semantics<arbitrary>, #tpu.dimension_semantics<arbitrary>], iteration_bounds = array<i64: 3, 16>, scalar_prefetch = 0 : i64, scratch_operands = 6 : i64, tpu.core_type = #tpu.core_type<tc>, window_params = [{transform_indices = @transform_0, window_bounds = array<i64: 3, 512, 256>}, {transform_indices = @transform_1, window_bounds = array<i64: 3, 512, 256>}, {transform_indices = @transform_2, window_bounds = array<i64: 512, 8>}, {transform_indices = @transform_3, window_bounds = array<i64: 512, 8>}, {transform_indices = @transform_4, window_bounds = array<i64: 512, 3>}, {transform_indices = @transform_5, window_bounds = array<i64: 512, 128>}, {pipeline_mode = #tpu.pipeline_mode<synchronous>, transform_indices = @transform_6, window_bounds = array<i64: 512, 512>}, {pipeline_mode = #tpu.pipeline_mode<synchronous>, transform_indices = @transform_7, window_bounds = array<i64: 1, 512>}, {pipeline_mode = #tpu.pipeline_mode<synchronous>, transform_indices = @transform_8, window_bounds = array<i64: 512, 512>}, {pipeline_mode = #tpu.pipeline_mode<synchronous>, transform_indices = @transform_9, window_bounds = array<i64: 1, 512>}, {pipeline_mode = #tpu.pipeline_mode<synchronous>, transform_indices = @transform_10, window_bounds = array<i64: 256, 512>}, {pipeline_mode = #tpu.pipeline_mode<synchronous>, transform_indices = @transform_11, window_bounds = array<i64: 1, 256>}, {pipeline_mode = #tpu.pipeline_mode<synchronous>, transform_indices = @transform_12, window_bounds = array<i64: 1, 512>}, {pipeline_mode = #tpu.pipeline_mode<synchronous>, transform_indices = @transform_13, window_bounds = array<i64: 1, 512>}, {pipeline_mode = #tpu.pipeline_mode<synchronous>, transform_indices = @transform_14, window_bounds = array<i64: 1, 512>}, {pipeline_mode = #tpu.pipeline_mode<synchronous>, transform_indices = @transform_15, window_bounds = array<i64: 1, 512>}, {transform_indices = @transform_16, window_bounds = array<i64: 512, 256>}]} {
    %mul3A = arith.constant 512 : i32
    %mul3A_0 = arith.muli %arg1, %mul3A : i32
    %eq3A = arith.constant 0 : i32
    %eq3A_1 = arith.cmpi eq, %arg0, %eq3A : i32
    %convert_element_type3A = arith.extui %eq3A_1 : i1 to i32
    %cond3A = arith.constant 0 : i32
    %cond3A_2 = arith.cmpi ne, %convert_element_type3A, %cond3A : i32
    scf.if %cond3A_2 {
      %eq3A_13 = arith.constant 0 : i32
      %eq3A_14 = arith.cmpi eq, %arg1, %eq3A_13 : i32
      %convert_element_type3A_15 = arith.extui %eq3A_14 : i1 to i32
      %cond3A_16 = arith.constant 0 : i32
      %cond3A_17 = arith.cmpi ne, %convert_element_type3A_15, %cond3A_16 : i32
      scf.if %cond3A_17 {
        %broadcast_in_dim3A_67 = arith.constant 0.000000e+00 : f32
        %broadcast_in_dim3A_68 = vector.broadcast %broadcast_in_dim3A_67 : f32 to vector<8x512xf32>
        %swap3A_69 = arith.constant 0 : index
        %swap3A_70 = arith.constant 0 : index
        %swap3A_71 = vector.load %arg21[%swap3A_69, %swap3A_70] : memref<8x512xf32, #tpu.memory_space<vmem>>, vector<8x512xf32>
        tpu.vector_store %arg21[%swap3A_69, %swap3A_70], %broadcast_in_dim3A_68 {strides = array<i32>} : memref<8x512xf32, #tpu.memory_space<vmem>>, vector<8x512xf32>,
      } else {
      }
      %lt3A = arith.constant 8 : i32
      %lt3A_18 = arith.cmpi slt, %arg1, %lt3A : i32
      %convert_element_type3A_19 = arith.extui %lt3A_18 : i1 to i32
      %cond3A_20 = arith.constant 0 : i32
      %cond3A_21 = arith.cmpi ne, %convert_element_type3A_19, %cond3A_20 : i32
      scf.if %cond3A_21 {
        %get3A_67 = arith.constant 0 : index
        %get3A_68 = arith.constant 0 : index
        %get3A_69 = vector.load %arg4[%get3A_67, %get3A_68] : memref<512x8xf32, #tpu.memory_space<vmem>>, vector<512x1xf32>
        %get3A_70 = arith.constant 0 : index
        %get3A_71 = arith.constant 0 : index
        %get3A_72 = arith.constant 0 : index
        %get3A_73 = vector.load %arg2[%get3A_70, %get3A_71, %get3A_72] : memref<3x512x256xf32, #tpu.memory_space<vmem>>, vector<1x512x256xf32>
        %get3A_74 = vector.shape_cast %get3A_73 : vector<1x512x256xf32> to vector<512x256xf32>
        %mul3A_75 = vector.broadcast %get3A_69 : vector<512x1xf32> to vector<512x256xf32>
        %mul3A_76 = arith.mulf %mul3A_75, %get3A_74 : vector<512x256xf32>
        %get3A_77 = arith.constant 0 : index
        %get3A_78 = arith.constant 1 : index
        %get3A_79 = vector.load %arg4[%get3A_77, %get3A_78] : memref<512x8xf32, #tpu.memory_space<vmem>>, vector<512x1xf32>
        %get3A_80 = arith.constant 1 : index
        %get3A_81 = arith.constant 0 : index
        %get3A_82 = arith.constant 0 : index
        %get3A_83 = vector.load %arg2[%get3A_80, %get3A_81, %get3A_82] : memref<3x512x256xf32, #tpu.memory_space<vmem>>, vector<1x512x256xf32>
        %get3A_84 = vector.shape_cast %get3A_83 : vector<1x512x256xf32> to vector<512x256xf32>
        %mul3A_85 = vector.broadcast %get3A_79 : vector<512x1xf32> to vector<512x256xf32>
        %mul3A_86 = arith.mulf %mul3A_85, %get3A_84 : vector<512x256xf32>
        %add3A_87 = arith.addf %mul3A_76, %mul3A_86 : vector<512x256xf32>
        %get3A_88 = arith.constant 0 : index
        %get3A_89 = arith.constant 2 : index
        %get3A_90 = vector.load %arg4[%get3A_88, %get3A_89] : memref<512x8xf32, #tpu.memory_space<vmem>>, vector<512x1xf32>
        %get3A_91 = arith.constant 2 : index
        %get3A_92 = arith.constant 0 : index
        %get3A_93 = arith.constant 0 : index
        %get3A_94 = vector.load %arg2[%get3A_91, %get3A_92, %get3A_93] : memref<3x512x256xf32, #tpu.memory_space<vmem>>, vector<1x512x256xf32>
        %get3A_95 = vector.shape_cast %get3A_94 : vector<1x512x256xf32> to vector<512x256xf32>
        %mul3A_96 = vector.broadcast %get3A_90 : vector<512x1xf32> to vector<512x256xf32>
        %mul3A_97 = arith.mulf %mul3A_96, %get3A_95 : vector<512x256xf32>
        %add3A_98 = arith.addf %add3A_87, %mul3A_97 : vector<512x256xf32>
        %swap3A_99 = arith.constant 0 : index
        %swap3A_100 = arith.constant 0 : index
        %swap3A_101 = vector.load %arg20[%swap3A_99, %swap3A_100] : memref<512x256xf32, #tpu.memory_space<vmem>>, vector<512x256xf32>
        tpu.vector_store %arg20[%swap3A_99, %swap3A_100], %add3A_98 {strides = array<i32>} : memref<512x256xf32, #tpu.memory_space<vmem>>, vector<512x256xf32>,
      } else {
      }
      %ge3A = arith.constant 8 : i32
      %ge3A_22 = arith.cmpi sge, %arg1, %ge3A : i32
      %convert_element_type3A_23 = arith.extui %ge3A_22 : i1 to i32
      %cond3A_24 = arith.constant 0 : i32
      %cond3A_25 = arith.cmpi ne, %convert_element_type3A_23, %cond3A_24 : i32
      scf.if %cond3A_25 {
        %get3A_67 = arith.constant 0 : index
        %get3A_68 = arith.constant 0 : index
        %get3A_69 = vector.load %arg5[%get3A_67, %get3A_68] : memref<512x8xf32, #tpu.memory_space<vmem>>, vector<512x1xf32>
        %get3A_70 = arith.constant 0 : index
        %get3A_71 = arith.constant 0 : index
        %get3A_72 = arith.constant 0 : index
        %get3A_73 = vector.load %arg3[%get3A_70, %get3A_71, %get3A_72] : memref<3x512x256xf32, #tpu.memory_space<vmem>>, vector<1x512x256xf32>
        %get3A_74 = vector.shape_cast %get3A_73 : vector<1x512x256xf32> to vector<512x256xf32>
        %mul3A_75 = vector.broadcast %get3A_69 : vector<512x1xf32> to vector<512x256xf32>
        %mul3A_76 = arith.mulf %mul3A_75, %get3A_74 : vector<512x256xf32>
        %get3A_77 = arith.constant 0 : index
        %get3A_78 = arith.constant 1 : index
        %get3A_79 = vector.load %arg5[%get3A_77, %get3A_78] : memref<512x8xf32, #tpu.memory_space<vmem>>, vector<512x1xf32>
        %get3A_80 = arith.constant 1 : index
        %get3A_81 = arith.constant 0 : index
        %get3A_82 = arith.constant 0 : index
        %get3A_83 = vector.load %arg3[%get3A_80, %get3A_81, %get3A_82] : memref<3x512x256xf32, #tpu.memory_space<vmem>>, vector<1x512x256xf32>
        %get3A_84 = vector.shape_cast %get3A_83 : vector<1x512x256xf32> to vector<512x256xf32>
        %mul3A_85 = vector.broadcast %get3A_79 : vector<512x1xf32> to vector<512x256xf32>
        %mul3A_86 = arith.mulf %mul3A_85, %get3A_84 : vector<512x256xf32>
        %add3A_87 = arith.addf %mul3A_76, %mul3A_86 : vector<512x256xf32>
        %get3A_88 = arith.constant 0 : index
        %get3A_89 = arith.constant 2 : index
        %get3A_90 = vector.load %arg5[%get3A_88, %get3A_89] : memref<512x8xf32, #tpu.memory_space<vmem>>, vector<512x1xf32>
        %get3A_91 = arith.constant 2 : index
        %get3A_92 = arith.constant 0 : index
        %get3A_93 = arith.constant 0 : index
        %get3A_94 = vector.load %arg3[%get3A_91, %get3A_92, %get3A_93] : memref<3x512x256xf32, #tpu.memory_space<vmem>>, vector<1x512x256xf32>
        %get3A_95 = vector.shape_cast %get3A_94 : vector<1x512x256xf32> to vector<512x256xf32>
        %mul3A_96 = vector.broadcast %get3A_90 : vector<512x1xf32> to vector<512x256xf32>
        %mul3A_97 = arith.mulf %mul3A_96, %get3A_95 : vector<512x256xf32>
        %add3A_98 = arith.addf %add3A_87, %mul3A_97 : vector<512x256xf32>
        %swap3A_99 = arith.constant 0 : index
        %swap3A_100 = arith.constant 0 : index
        %swap3A_101 = vector.load %arg20[%swap3A_99, %swap3A_100] : memref<512x256xf32, #tpu.memory_space<vmem>>, vector<512x256xf32>
        tpu.vector_store %arg20[%swap3A_99, %swap3A_100], %add3A_98 {strides = array<i32>} : memref<512x256xf32, #tpu.memory_space<vmem>>, vector<512x256xf32>,
      } else {
      }
      %get3A = arith.constant 0 : index
      %get3A_26 = arith.constant 0 : index
      %get3A_27 = vector.load %arg20[%get3A, %get3A_26] : memref<512x256xf32, #tpu.memory_space<vmem>>, vector<512x256xf32>
      %get3A_28 = arith.constant 0 : index
      %get3A_29 = arith.constant 0 : index
      %get3A_30 = vector.load %arg7[%get3A_28, %get3A_29] : memref<512x128xf32, #tpu.memory_space<vmem>>, vector<512x128xf32>
      %get3A_31 = arith.constant 0 : index
      %get3A_32 = arith.constant 0 : index
      %get3A_33 = vector.load %arg6[%get3A_31, %get3A_32] : memref<512x3xf32, #tpu.memory_space<vmem>>, vector<512x3xf32>
      %broadcast_in_dim3A = arith.constant 0.000000e+00 : f32
      %broadcast_in_dim3A_34 = vector.broadcast %broadcast_in_dim3A : f32 to vector<512x125xf32>
      %concatenate3A = tpu.concatenate %get3A_27, %get3A_30, %get3A_33, %broadcast_in_dim3A_34 in 1 : vector<512x256xf32>, vector<512x128xf32>, vector<512x3xf32>, vector<512x125xf32> -> vector<512x512xf32>
      %convert_element_type3A_35 = arith.truncf %concatenate3A : vector<512x512xf32> to vector<512x512xbf16>
      %get3A_36 = arith.constant 0 : index
      %get3A_37 = arith.constant 0 : index
      %get3A_38 = vector.load %arg8[%get3A_36, %get3A_37] : memref<512x512xf32, #tpu.memory_space<vmem>>, vector<512x512xf32>
      %convert_element_type3A_39 = arith.truncf %get3A_38 : vector<512x512xf32> to vector<512x512xbf16>
      %dot_general3A = arith.constant dense<0.000000e+00> : vector<512x512xf32>
      %dot_general3A_40 = tpu.matmul %convert_element_type3A_35, %convert_element_type3A_39, %dot_general3A {dimension_numbers = #tpu.dot_dimension_numbers<[1], [1], [0], [0], [0, 0, 1, 0], [], []>, transpose_lhs_hint = false} : vector<512x512xbf16>, vector<512x512xbf16>, vector<512x512xf32> -> vector<512x512xf32>
      %get3A_41 = arith.constant 0 : index
      %get3A_42 = arith.constant 0 : index
      %get3A_43 = vector.load %arg9[%get3A_41, %get3A_42] : memref<1x512xf32, #tpu.memory_space<vmem>>, vector<1x512xf32>
      %add3A = vector.broadcast %get3A_43 : vector<1x512xf32> to vector<512x512xf32>
      %add3A_44 = arith.addf %dot_general3A_40, %add3A : vector<512x512xf32>
      %swap3A = arith.index_cast %mul3A_0 : i32 to index
      %swap3A_45 = arith.constant 0 : index
      %swap3A_46 = vector.load %arg19[%swap3A, %swap3A_45] : memref<8192x512xf32, #tpu.memory_space<vmem>>, vector<512x512xf32>
      tpu.vector_store %arg19[%swap3A, %swap3A_45], %add3A_44 {strides = array<i32>} : memref<8192x512xf32, #tpu.memory_space<vmem>>, vector<512x512xf32>,
      %get3A_47 = arith.constant 0 : index
      %get3A_48 = arith.constant 0 : index
      %get3A_49 = vector.load %arg21[%get3A_47, %get3A_48] : memref<8x512xf32, #tpu.memory_space<vmem>>, vector<1x512xf32>
      %reduce_sum3A = arith.constant dense<0.000000e+00> : vector<512xf32>
      %reduce_sum3A_50 = vector.multi_reduction <add>, %add3A_44, %reduce_sum3A [0] : vector<512x512xf32> to vector<512xf32>
      %broadcast_in_dim3A_51 = vector.shape_cast %reduce_sum3A_50 : vector<512xf32> to vector<1x512xf32>
      %add3A_52 = arith.addf %get3A_49, %broadcast_in_dim3A_51 : vector<1x512xf32>
      %swap3A_53 = arith.constant 0 : index
      %swap3A_54 = arith.constant 0 : index
      %swap3A_55 = vector.load %arg21[%swap3A_53, %swap3A_54] : memref<8x512xf32, #tpu.memory_space<vmem>>, vector<1x512xf32>
      tpu.vector_store %arg21[%swap3A_53, %swap3A_54], %add3A_52 {strides = array<i32>} : memref<8x512xf32, #tpu.memory_space<vmem>>, vector<1x512xf32>,
      %get3A_56 = arith.constant 1 : index
      %get3A_57 = arith.constant 0 : index
      %get3A_58 = vector.load %arg21[%get3A_56, %get3A_57] : memref<8x512xf32, #tpu.memory_space<vmem>>, vector<1x512xf32>
      %mul3A_59 = arith.mulf %add3A_44, %add3A_44 : vector<512x512xf32>
      %reduce_sum3A_60 = arith.constant dense<0.000000e+00> : vector<512xf32>
      %reduce_sum3A_61 = vector.multi_reduction <add>, %mul3A_59, %reduce_sum3A_60 [0] : vector<512x512xf32> to vector<512xf32>
      %broadcast_in_dim3A_62 = vector.shape_cast %reduce_sum3A_61 : vector<512xf32> to vector<1x512xf32>
      %add3A_63 = arith.addf %get3A_58, %broadcast_in_dim3A_62 : vector<1x512xf32>
      %swap3A_64 = arith.constant 1 : index
      %swap3A_65 = arith.constant 0 : index
      %swap3A_66 = vector.load %arg21[%swap3A_64, %swap3A_65] : memref<8x512xf32, #tpu.memory_space<vmem>>, vector<1x512xf32>
      tpu.vector_store %arg21[%swap3A_64, %swap3A_65], %add3A_63 {strides = array<i32>} : memref<8x512xf32, #tpu.memory_space<vmem>>, vector<1x512xf32>,
    } else {
    }
    %eq3A_3 = arith.constant 1 : i32
    %eq3A_4 = arith.cmpi eq, %arg0, %eq3A_3 : i32
    %convert_element_type3A_5 = arith.extui %eq3A_4 : i1 to i32
    %cond3A_6 = arith.constant 0 : i32
    %cond3A_7 = arith.cmpi ne, %convert_element_type3A_5, %cond3A_6 : i32
    scf.if %cond3A_7 {
      %eq3A_13 = arith.constant 0 : i32
      %eq3A_14 = arith.cmpi eq, %arg1, %eq3A_13 : i32
      %convert_element_type3A_15 = arith.extui %eq3A_14 : i1 to i32
      %cond3A_16 = arith.constant 0 : i32
      %cond3A_17 = arith.cmpi ne, %convert_element_type3A_15, %cond3A_16 : i32
      scf.if %cond3A_17 {
        %get3A_63 = arith.constant 0 : index
        %get3A_64 = arith.constant 0 : index
        %get3A_65 = vector.load %arg21[%get3A_63, %get3A_64] : memref<8x512xf32, #tpu.memory_space<vmem>>, vector<1x512xf32>
        %mul3A_66 = arith.constant 1.22070313E-4 : f32
        %mul3A_67 = vector.broadcast %mul3A_66 : f32 to vector<1x512xf32>
        %mul3A_68 = arith.mulf %get3A_65, %mul3A_67 : vector<1x512xf32>
        %get3A_69 = arith.constant 1 : index
        %get3A_70 = arith.constant 0 : index
        %get3A_71 = vector.load %arg21[%get3A_69, %get3A_70] : memref<8x512xf32, #tpu.memory_space<vmem>>, vector<1x512xf32>
        %mul3A_72 = arith.constant 1.22070313E-4 : f32
        %mul3A_73 = vector.broadcast %mul3A_72 : f32 to vector<1x512xf32>
        %mul3A_74 = arith.mulf %get3A_71, %mul3A_73 : vector<1x512xf32>
        %mul3A_75 = arith.mulf %mul3A_68, %mul3A_68 : vector<1x512xf32>
        %sub3A = arith.subf %mul3A_74, %mul3A_75 : vector<1x512xf32>
        %get3A_76 = arith.constant 0 : index
        %get3A_77 = arith.constant 0 : index
        %get3A_78 = vector.load %arg14[%get3A_76, %get3A_77] : memref<1x512xf32, #tpu.memory_space<vmem>>, vector<1x512xf32>
        %add3A_79 = arith.constant 9.99999974E-6 : f32
        %add3A_80 = vector.broadcast %add3A_79 : f32 to vector<1x512xf32>
        %add3A_81 = arith.addf %sub3A, %add3A_80 : vector<1x512xf32>
        %rsqrt3A = math.rsqrt %add3A_81 : vector<1x512xf32>
        %mul3A_82 = arith.mulf %get3A_78, %rsqrt3A : vector<1x512xf32>
        %swap3A_83 = arith.constant 0 : index
        %swap3A_84 = arith.constant 0 : index
        %swap3A_85 = vector.load %arg23[%swap3A_83, %swap3A_84] : memref<8x512xf32, #tpu.memory_space<vmem>>, vector<1x512xf32>
        tpu.vector_store %arg23[%swap3A_83, %swap3A_84], %mul3A_82 {strides = array<i32>} : memref<8x512xf32, #tpu.memory_space<vmem>>, vector<1x512xf32>,
        %get3A_86 = arith.constant 0 : index
        %get3A_87 = arith.constant 0 : index
        %get3A_88 = vector.load %arg15[%get3A_86, %get3A_87] : memref<1x512xf32, #tpu.memory_space<vmem>>, vector<1x512xf32>
        %mul3A_89 = arith.mulf %mul3A_68, %mul3A_82 : vector<1x512xf32>
        %sub3A_90 = arith.subf %get3A_88, %mul3A_89 : vector<1x512xf32>
        %swap3A_91 = arith.constant 1 : index
        %swap3A_92 = arith.constant 0 : index
        %swap3A_93 = vector.load %arg23[%swap3A_91, %swap3A_92] : memref<8x512xf32, #tpu.memory_space<vmem>>, vector<1x512xf32>
        tpu.vector_store %arg23[%swap3A_91, %swap3A_92], %sub3A_90 {strides = array<i32>} : memref<8x512xf32, #tpu.memory_space<vmem>>, vector<1x512xf32>,
        %broadcast_in_dim3A_94 = arith.constant 0.000000e+00 : f32
        %broadcast_in_dim3A_95 = vector.broadcast %broadcast_in_dim3A_94 : f32 to vector<8x512xf32>
        %swap3A_96 = arith.constant 0 : index
        %swap3A_97 = arith.constant 0 : index
        %swap3A_98 = vector.load %arg22[%swap3A_96, %swap3A_97] : memref<8x512xf32, #tpu.memory_space<vmem>>, vector<8x512xf32>
        tpu.vector_store %arg22[%swap3A_96, %swap3A_97], %broadcast_in_dim3A_95 {strides = array<i32>} : memref<8x512xf32, #tpu.memory_space<vmem>>, vector<8x512xf32>,
      } else {
      }
      %get3A = arith.index_cast %mul3A_0 : i32 to index
      %get3A_18 = arith.constant 0 : index
      %get3A_19 = vector.load %arg19[%get3A, %get3A_18] : memref<8192x512xf32, #tpu.memory_space<vmem>>, vector<512x512xf32>
      %get3A_20 = arith.constant 0 : index
      %get3A_21 = arith.constant 0 : index
      %get3A_22 = vector.load %arg23[%get3A_20, %get3A_21] : memref<8x512xf32, #tpu.memory_space<vmem>>, vector<1x512xf32>
      %mul3A_23 = vector.broadcast %get3A_22 : vector<1x512xf32> to vector<512x512xf32>
      %mul3A_24 = arith.mulf %get3A_19, %mul3A_23 : vector<512x512xf32>
      %get3A_25 = arith.constant 1 : index
      %get3A_26 = arith.constant 0 : index
      %get3A_27 = vector.load %arg23[%get3A_25, %get3A_26] : memref<8x512xf32, #tpu.memory_space<vmem>>, vector<1x512xf32>
      %add3A = vector.broadcast %get3A_27 : vector<1x512xf32> to vector<512x512xf32>
      %add3A_28 = arith.addf %mul3A_24, %add3A : vector<512x512xf32>
      %max3A = arith.constant 0.000000e+00 : f32
      %max3A_29 = vector.broadcast %max3A : f32 to vector<512x512xf32>
      %max3A_30 = arith.maximumf %add3A_28, %max3A_29 : vector<512x512xf32>
      %convert_element_type3A_31 = arith.truncf %max3A_30 : vector<512x512xf32> to vector<512x512xbf16>
      %get3A_32 = arith.constant 0 : index
      %get3A_33 = arith.constant 0 : index
      %get3A_34 = vector.load %arg10[%get3A_32, %get3A_33] : memref<512x512xf32, #tpu.memory_space<vmem>>, vector<512x512xf32>
      %convert_element_type3A_35 = arith.truncf %get3A_34 : vector<512x512xf32> to vector<512x512xbf16>
      %dot_general3A = arith.constant dense<0.000000e+00> : vector<512x512xf32>
      %dot_general3A_36 = tpu.matmul %convert_element_type3A_31, %convert_element_type3A_35, %dot_general3A {dimension_numbers = #tpu.dot_dimension_numbers<[1], [1], [0], [0], [0, 0, 1, 0], [], []>, transpose_lhs_hint = false} : vector<512x512xbf16>, vector<512x512xbf16>, vector<512x512xf32> -> vector<512x512xf32>
      %get3A_37 = arith.constant 0 : index
      %get3A_38 = arith.constant 0 : index
      %get3A_39 = vector.load %arg11[%get3A_37, %get3A_38] : memref<1x512xf32, #tpu.memory_space<vmem>>, vector<1x512xf32>
      %add3A_40 = vector.broadcast %get3A_39 : vector<1x512xf32> to vector<512x512xf32>
      %add3A_41 = arith.addf %dot_general3A_36, %add3A_40 : vector<512x512xf32>
      %swap3A = arith.index_cast %mul3A_0 : i32 to index
      %swap3A_42 = arith.constant 0 : index
      %swap3A_43 = vector.load %arg19[%swap3A, %swap3A_42] : memref<8192x512xf32, #tpu.memory_space<vmem>>, vector<512x512xf32>
      tpu.vector_store %arg19[%swap3A, %swap3A_42], %add3A_41 {strides = array<i32>} : memref<8192x512xf32, #tpu.memory_space<vmem>>, vector<512x512xf32>,
      %get3A_44 = arith.constant 0 : index
      %get3A_45 = arith.constant 0 : index
      %get3A_46 = vector.load %arg22[%get3A_44, %get3A_45] : memref<8x512xf32, #tpu.memory_space<vmem>>, vector<1x512xf32>
      %reduce_sum3A = arith.constant dense<0.000000e+00> : vector<512xf32>
      %reduce_sum3A_47 = vector.multi_reduction <add>, %add3A_41, %reduce_sum3A [0] : vector<512x512xf32> to vector<512xf32>
      %broadcast_in_dim3A = vector.shape_cast %reduce_sum3A_47 : vector<512xf32> to vector<1x512xf32>
      %add3A_48 = arith.addf %get3A_46, %broadcast_in_dim3A : vector<1x512xf32>
      %swap3A_49 = arith.constant 0 : index
      %swap3A_50 = arith.constant 0 : index
      %swap3A_51 = vector.load %arg22[%swap3A_49, %swap3A_50] : memref<8x512xf32, #tpu.memory_space<vmem>>, vector<1x512xf32>
      tpu.vector_store %arg22[%swap3A_49, %swap3A_50], %add3A_48 {strides = array<i32>} : memref<8x512xf32, #tpu.memory_space<vmem>>, vector<1x512xf32>,
      %get3A_52 = arith.constant 1 : index
      %get3A_53 = arith.constant 0 : index
      %get3A_54 = vector.load %arg22[%get3A_52, %get3A_53] : memref<8x512xf32, #tpu.memory_space<vmem>>, vector<1x512xf32>
      %mul3A_55 = arith.mulf %add3A_41, %add3A_41 : vector<512x512xf32>
      %reduce_sum3A_56 = arith.constant dense<0.000000e+00> : vector<512xf32>
      %reduce_sum3A_57 = vector.multi_reduction <add>, %mul3A_55, %reduce_sum3A_56 [0] : vector<512x512xf32> to vector<512xf32>
      %broadcast_in_dim3A_58 = vector.shape_cast %reduce_sum3A_57 : vector<512xf32> to vector<1x512xf32>
      %add3A_59 = arith.addf %get3A_54, %broadcast_in_dim3A_58 : vector<1x512xf32>
      %swap3A_60 = arith.constant 1 : index
      %swap3A_61 = arith.constant 0 : index
      %swap3A_62 = vector.load %arg22[%swap3A_60, %swap3A_61] : memref<8x512xf32, #tpu.memory_space<vmem>>, vector<1x512xf32>
      tpu.vector_store %arg22[%swap3A_60, %swap3A_61], %add3A_59 {strides = array<i32>} : memref<8x512xf32, #tpu.memory_space<vmem>>, vector<1x512xf32>,
    } else {
    }
    %eq3A_8 = arith.constant 2 : i32
    %eq3A_9 = arith.cmpi eq, %arg0, %eq3A_8 : i32
    %convert_element_type3A_10 = arith.extui %eq3A_9 : i1 to i32
    %cond3A_11 = arith.constant 0 : i32
    %cond3A_12 = arith.cmpi ne, %convert_element_type3A_10, %cond3A_11 : i32
    scf.if %cond3A_12 {
      %eq3A_13 = arith.constant 0 : i32
      %eq3A_14 = arith.cmpi eq, %arg1, %eq3A_13 : i32
      %convert_element_type3A_15 = arith.extui %eq3A_14 : i1 to i32
      %cond3A_16 = arith.constant 0 : i32
      %cond3A_17 = arith.cmpi ne, %convert_element_type3A_15, %cond3A_16 : i32
      scf.if %cond3A_17 {
        %get3A_44 = arith.constant 0 : index
        %get3A_45 = arith.constant 0 : index
        %get3A_46 = vector.load %arg22[%get3A_44, %get3A_45] : memref<8x512xf32, #tpu.memory_space<vmem>>, vector<1x512xf32>
        %mul3A_47 = arith.constant 1.22070313E-4 : f32
        %mul3A_48 = vector.broadcast %mul3A_47 : f32 to vector<1x512xf32>
        %mul3A_49 = arith.mulf %get3A_46, %mul3A_48 : vector<1x512xf32>
        %get3A_50 = arith.constant 1 : index
        %get3A_51 = arith.constant 0 : index
        %get3A_52 = vector.load %arg22[%get3A_50, %get3A_51] : memref<8x512xf32, #tpu.memory_space<vmem>>, vector<1x512xf32>
        %mul3A_53 = arith.constant 1.22070313E-4 : f32
        %mul3A_54 = vector.broadcast %mul3A_53 : f32 to vector<1x512xf32>
        %mul3A_55 = arith.mulf %get3A_52, %mul3A_54 : vector<1x512xf32>
        %mul3A_56 = arith.mulf %mul3A_49, %mul3A_49 : vector<1x512xf32>
        %sub3A = arith.subf %mul3A_55, %mul3A_56 : vector<1x512xf32>
        %get3A_57 = arith.constant 0 : index
        %get3A_58 = arith.constant 0 : index
        %get3A_59 = vector.load %arg16[%get3A_57, %get3A_58] : memref<1x512xf32, #tpu.memory_space<vmem>>, vector<1x512xf32>
        %add3A_60 = arith.constant 9.99999974E-6 : f32
        %add3A_61 = vector.broadcast %add3A_60 : f32 to vector<1x512xf32>
        %add3A_62 = arith.addf %sub3A, %add3A_61 : vector<1x512xf32>
        %rsqrt3A = math.rsqrt %add3A_62 : vector<1x512xf32>
        %mul3A_63 = arith.mulf %get3A_59, %rsqrt3A : vector<1x512xf32>
        %swap3A_64 = arith.constant 0 : index
        %swap3A_65 = arith.constant 0 : index
        %swap3A_66 = vector.load %arg24[%swap3A_64, %swap3A_65] : memref<8x512xf32, #tpu.memory_space<vmem>>, vector<1x512xf32>
        tpu.vector_store %arg24[%swap3A_64, %swap3A_65], %mul3A_63 {strides = array<i32>} : memref<8x512xf32, #tpu.memory_space<vmem>>, vector<1x512xf32>,
        %get3A_67 = arith.constant 0 : index
        %get3A_68 = arith.constant 0 : index
        %get3A_69 = vector.load %arg17[%get3A_67, %get3A_68] : memref<1x512xf32, #tpu.memory_space<vmem>>, vector<1x512xf32>
        %mul3A_70 = arith.mulf %mul3A_49, %mul3A_63 : vector<1x512xf32>
        %sub3A_71 = arith.subf %get3A_69, %mul3A_70 : vector<1x512xf32>
        %swap3A_72 = arith.constant 1 : index
        %swap3A_73 = arith.constant 0 : index
        %swap3A_74 = vector.load %arg24[%swap3A_72, %swap3A_73] : memref<8x512xf32, #tpu.memory_space<vmem>>, vector<1x512xf32>
        tpu.vector_store %arg24[%swap3A_72, %swap3A_73], %sub3A_71 {strides = array<i32>} : memref<8x512xf32, #tpu.memory_space<vmem>>, vector<1x512xf32>,
      } else {
      }
      %get3A = arith.index_cast %mul3A_0 : i32 to index
      %get3A_18 = arith.constant 0 : index
      %get3A_19 = vector.load %arg19[%get3A, %get3A_18] : memref<8192x512xf32, #tpu.memory_space<vmem>>, vector<512x512xf32>
      %get3A_20 = arith.constant 0 : index
      %get3A_21 = arith.constant 0 : index
      %get3A_22 = vector.load %arg24[%get3A_20, %get3A_21] : memref<8x512xf32, #tpu.memory_space<vmem>>, vector<1x512xf32>
      %mul3A_23 = vector.broadcast %get3A_22 : vector<1x512xf32> to vector<512x512xf32>
      %mul3A_24 = arith.mulf %get3A_19, %mul3A_23 : vector<512x512xf32>
      %get3A_25 = arith.constant 1 : index
      %get3A_26 = arith.constant 0 : index
      %get3A_27 = vector.load %arg24[%get3A_25, %get3A_26] : memref<8x512xf32, #tpu.memory_space<vmem>>, vector<1x512xf32>
      %add3A = vector.broadcast %get3A_27 : vector<1x512xf32> to vector<512x512xf32>
      %add3A_28 = arith.addf %mul3A_24, %add3A : vector<512x512xf32>
      %max3A = arith.constant 0.000000e+00 : f32
      %max3A_29 = vector.broadcast %max3A : f32 to vector<512x512xf32>
      %max3A_30 = arith.maximumf %add3A_28, %max3A_29 : vector<512x512xf32>
      %convert_element_type3A_31 = arith.truncf %max3A_30 : vector<512x512xf32> to vector<512x512xbf16>
      %get3A_32 = arith.constant 0 : index
      %get3A_33 = arith.constant 0 : index
      %get3A_34 = vector.load %arg12[%get3A_32, %get3A_33] : memref<256x512xf32, #tpu.memory_space<vmem>>, vector<256x512xf32>
      %convert_element_type3A_35 = arith.truncf %get3A_34 : vector<256x512xf32> to vector<256x512xbf16>
      %dot_general3A = arith.constant dense<0.000000e+00> : vector<512x256xf32>
      %dot_general3A_36 = tpu.matmul %convert_element_type3A_31, %convert_element_type3A_35, %dot_general3A {dimension_numbers = #tpu.dot_dimension_numbers<[1], [1], [0], [0], [0, 0, 1, 0], [], []>, transpose_lhs_hint = false} : vector<512x512xbf16>, vector<256x512xbf16>, vector<512x256xf32> -> vector<512x256xf32>
      %get3A_37 = arith.constant 0 : index
      %get3A_38 = arith.constant 0 : index
      %get3A_39 = vector.load %arg13[%get3A_37, %get3A_38] : memref<1x256xf32, #tpu.memory_space<vmem>>, vector<1x256xf32>
      %add3A_40 = vector.broadcast %get3A_39 : vector<1x256xf32> to vector<512x256xf32>
      %add3A_41 = arith.addf %dot_general3A_36, %add3A_40 : vector<512x256xf32>
      %swap3A = arith.constant 0 : index
      %swap3A_42 = arith.constant 0 : index
      %swap3A_43 = vector.load %arg18[%swap3A, %swap3A_42] : memref<512x256xf32, #tpu.memory_space<vmem>>, vector<512x256xf32>
      tpu.vector_store %arg18[%swap3A, %swap3A_42], %add3A_41 {strides = array<i32>} : memref<512x256xf32, #tpu.memory_space<vmem>>, vector<512x256xf32>,
    } else {
    }
    return
  }
  func.func @transform_0(%arg0: i32, %arg1: i32) -> (i32, i32, i32) {
    %eq3A = arith.constant 0 : i32
    %eq3A_0 = arith.cmpi eq, %arg0, %eq3A : i32
    %min3A = arith.constant 7 : i32
    %min3A_1 = arith.minsi %arg1, %min3A : i32
    %jit3A = arith.constant 0 : i32
    %select_n3A = arith.select %eq3A_0, %min3A_1, %jit3A : i32
    %c0_i32 = arith.constant 0 : i32
    %c0_i32_2 = arith.constant 0 : i32
    %c0_i32_3 = arith.constant 0 : i32
    return %c0_i32, %select_n3A, %c0_i32_2 : i32, i32, i32
  }
  func.func @transform_1(%arg0: i32, %arg1: i32) -> (i32, i32, i32) {
    %eq3A = arith.constant 0 : i32
    %eq3A_0 = arith.cmpi eq, %arg0, %eq3A : i32
    %sub3A = arith.constant 8 : i32
    %sub3A_1 = arith.subi %arg1, %sub3A : i32
    %max3A = arith.constant 0 : i32
    %max3A_2 = arith.maxsi %sub3A_1, %max3A : i32
    %jit3A = arith.constant 0 : i32
    %select_n3A = arith.select %eq3A_0, %max3A_2, %jit3A : i32
    %c0_i32 = arith.constant 0 : i32
    %c0_i32_3 = arith.constant 0 : i32
    %c0_i32_4 = arith.constant 0 : i32
    return %c0_i32, %select_n3A, %c0_i32_3 : i32, i32, i32
  }
  func.func @transform_2(%arg0: i32, %arg1: i32) -> (i32, i32) {
    %eq3A = arith.constant 0 : i32
    %eq3A_0 = arith.cmpi eq, %arg0, %eq3A : i32
    %min3A = arith.constant 7 : i32
    %min3A_1 = arith.minsi %arg1, %min3A : i32
    %jit3A = arith.constant 0 : i32
    %select_n3A = arith.select %eq3A_0, %min3A_1, %jit3A : i32
    %c0_i32 = arith.constant 0 : i32
    %c0_i32_2 = arith.constant 0 : i32
    return %select_n3A, %c0_i32 : i32, i32
  }
  func.func @transform_3(%arg0: i32, %arg1: i32) -> (i32, i32) {
    %eq3A = arith.constant 0 : i32
    %eq3A_0 = arith.cmpi eq, %arg0, %eq3A : i32
    %sub3A = arith.constant 8 : i32
    %sub3A_1 = arith.subi %arg1, %sub3A : i32
    %max3A = arith.constant 0 : i32
    %max3A_2 = arith.maxsi %sub3A_1, %max3A : i32
    %jit3A = arith.constant 0 : i32
    %select_n3A = arith.select %eq3A_0, %max3A_2, %jit3A : i32
    %c0_i32 = arith.constant 0 : i32
    %c0_i32_3 = arith.constant 0 : i32
    return %select_n3A, %c0_i32 : i32, i32
  }
  func.func @transform_4(%arg0: i32, %arg1: i32) -> (i32, i32) {
    %eq3A = arith.constant 0 : i32
    %eq3A_0 = arith.cmpi eq, %arg0, %eq3A : i32
    %jit3A = arith.constant 0 : i32
    %select_n3A = arith.select %eq3A_0, %arg1, %jit3A : i32
    %c0_i32 = arith.constant 0 : i32
    %c0_i32_1 = arith.constant 0 : i32
    return %select_n3A, %c0_i32 : i32, i32
  }
  func.func @transform_5(%arg0: i32, %arg1: i32) -> (i32, i32) {
    %eq3A = arith.constant 0 : i32
    %eq3A_0 = arith.cmpi eq, %arg0, %eq3A : i32
    %jit3A = arith.constant 0 : i32
    %select_n3A = arith.select %eq3A_0, %arg1, %jit3A : i32
    %c0_i32 = arith.constant 0 : i32
    %c0_i32_1 = arith.constant 0 : i32
    return %select_n3A, %c0_i32 : i32, i32
  }
  func.func @transform_6(%arg0: i32, %arg1: i32) -> (i32, i32) {
    %c0_i32 = arith.constant 0 : i32
    %c0_i32_0 = arith.constant 0 : i32
    %c0_i32_1 = arith.constant 0 : i32
    return %c0_i32, %c0_i32_0 : i32, i32
  }
  func.func @transform_7(%arg0: i32, %arg1: i32) -> (i32, i32) {
    %c0_i32 = arith.constant 0 : i32
    %c0_i32_0 = arith.constant 0 : i32
    %c0_i32_1 = arith.constant 0 : i32
    return %c0_i32, %c0_i32_0 : i32, i32
  }
  func.func @transform_8(%arg0: i32, %arg1: i32) -> (i32, i32) {
    %c0_i32 = arith.constant 0 : i32
    %c0_i32_0 = arith.constant 0 : i32
    %c0_i32_1 = arith.constant 0 : i32
    return %c0_i32, %c0_i32_0 : i32, i32
  }
  func.func @transform_9(%arg0: i32, %arg1: i32) -> (i32, i32) {
    %c0_i32 = arith.constant 0 : i32
    %c0_i32_0 = arith.constant 0 : i32
    %c0_i32_1 = arith.constant 0 : i32
    return %c0_i32, %c0_i32_0 : i32, i32
  }
  func.func @transform_10(%arg0: i32, %arg1: i32) -> (i32, i32) {
    %c0_i32 = arith.constant 0 : i32
    %c0_i32_0 = arith.constant 0 : i32
    %c0_i32_1 = arith.constant 0 : i32
    return %c0_i32, %c0_i32_0 : i32, i32
  }
  func.func @transform_11(%arg0: i32, %arg1: i32) -> (i32, i32) {
    %c0_i32 = arith.constant 0 : i32
    %c0_i32_0 = arith.constant 0 : i32
    %c0_i32_1 = arith.constant 0 : i32
    return %c0_i32, %c0_i32_0 : i32, i32
  }
  func.func @transform_12(%arg0: i32, %arg1: i32) -> (i32, i32) {
    %c0_i32 = arith.constant 0 : i32
    %c0_i32_0 = arith.constant 0 : i32
    %c0_i32_1 = arith.constant 0 : i32
    return %c0_i32, %c0_i32_0 : i32, i32
  }
  func.func @transform_13(%arg0: i32, %arg1: i32) -> (i32, i32) {
    %c0_i32 = arith.constant 0 : i32
    %c0_i32_0 = arith.constant 0 : i32
    %c0_i32_1 = arith.constant 0 : i32
    return %c0_i32, %c0_i32_0 : i32, i32
  }
  func.func @transform_14(%arg0: i32, %arg1: i32) -> (i32, i32) {
    %c0_i32 = arith.constant 0 : i32
    %c0_i32_0 = arith.constant 0 : i32
    %c0_i32_1 = arith.constant 0 : i32
    return %c0_i32, %c0_i32_0 : i32, i32
  }
  func.func @transform_15(%arg0: i32, %arg1: i32) -> (i32, i32) {
    %c0_i32 = arith.constant 0 : i32
    %c0_i32_0 = arith.constant 0 : i32
    %c0_i32_1 = arith.constant 0 : i32
    return %c0_i32, %c0_i32_0 : i32, i32
  }
  func.func @transform_16(%arg0: i32, %arg1: i32) -> (i32, i32) {
    %eq3A = arith.constant 2 : i32
    %eq3A_0 = arith.cmpi eq, %arg0, %eq3A : i32
    %jit3A = arith.constant 0 : i32
    %select_n3A = arith.select %eq3A_0, %arg1, %jit3A : i32
    %c0_i32 = arith.constant 0 : i32
    %c0_i32_1 = arith.constant 0 : i32
    return %select_n3A, %c0_i32 : i32, i32
  }
}

</mosaic_0001>

<sc_bundles>
// kernel: kernel.10.cloned.1.call-start
scs
__scs_entry_jumppad:
0x0: {  	(pc) =	sbr.rel $0x88, $3  }
0x1: {  	(tag) =	ssettag $0x0;
	lr =	simm.s32 $0x1  }
0x2: {  	[smem:$0x3F93] =	sst lr;
	_ =	strace $0xD0000000  }
0x3: {  	_ = 	snop  }
0x4: {  	_ = 	snop  }
0x5: {  	_ = 	snop  }
0x6: {  	_ = 	snop  }
0x7: {  	_ = 	snop  }
__scs_overlays_trampoline_lowered:
0x8: {  	[smem:$0x3FA2] =	sst s0  }
0x9: {  	[smem:$0x3FA3] =	sst s1  }
0xa: {  	[smem:$0x3FA4] =	sst s2  }
0xb: {  	[smem:$0x3FA5] =	sst s3  }
0xc: {  	[smem:$0x3FA6] =	sst s4  }
0xd: {  	[smem:$0x3FA7] =	sst s5  }
0xe: {  	[smem:$0x3FA8] =	sst s6  }
0xf: {  	[smem:$0x3FA9] =	sst s7  }
0x10: {  	[smem:$0x3FAA] =	sst s8  }
0x11: {  	[smem:$0x3FAB] =	sst s9;
	s0 =	simm.s32 @!p0 $0x0  }
0x12: {  	s1 =	sld [smem:$0x3F91];
	s0 =	simm.s32 @p0 $0x1  }
0x13: {  	[smem:$0x3FAC] =	sst s0;
	s0 =	simm.s32 @!p1 $0x0  }
0x14: {  	s2 =	sld [smem:$0x3F90];
	s0 =	simm.s32 @p1 $0x1  }
0x15: {  	[smem:$0x3FAD] =	sst s0;
	s0 =	simm.s32 @!p2 $0x0  }
0x16: {  	s3 =	sld [smem:$0x3FDB];
	s0 =	simm.s32 @p2 $0x1  }
0x17: {  	s4 =	simm.s32 $0x1BF5;
	[smem:$0x3FAF] =	sst s0  }
0x18: {  	s0 =	sld [smem:$0x3F92];
	_ =	swait.ge [sflag:s4], $0x0  }
0x19: {  	s7 =	sld [smem:$0x3F93]  }
0x1a: {  	s8 =	sadd.s32 $0xFFFFE003, lr  }
0x1b: {  	s9 =	sadd.s32 $0xFFFFFEF7, lr;
	s5 =	simm.s32 $0xFFFFFFFF;
	p2 =	slt.u32 s8, $0xFFFFF086  }
0x1c: {  	p1 =	slt.u32 s9, $0xF7A;
	s5 =	simm.s32 @!p2 $0x0  }
0x1d: {  	s5 =	simm.s32 @p1 $0x1;
	p0 =	seq.s32 s7, s2  }
0x1e: {  	s7 =	smul.u32 @!p0 $0xF7A, s2;
	p2 =	seq.s32 @!p0 s5, $0x0  }
0x1f: {  	s9 =	smul.u32 $0xF7A, s1;
	s8 =	simm.s32 @!p0 $0x1BF5;
	p2 =	por !p2, p0  }
0x20: {  	[sflag:s8] =	ssyncset.s32 @!p0 $0xFFFFF086;
	s6 =	sadd.s32 @!p0 s3, s7;
	s7 =	simm.s32 @!p0 $0x108  }
0x21: {  	s3 =	sadd.s32 s3, s9;
	s6 =	sadd.s32 @!p0 $0x88, s6;
	s7 =	simm.s32 @p2 $0x1082  }
0x22: {  	[simem:s7], [sflag:s8] =	dma.local @!p0 [hbm:s6], $0xF7A  }
0x23: {  	s9 =	sor.u32 $0xD0000000, s2;
	s6 =	simm.s32 $0x108;
	_ =	swait.ge @!p0 [sflag:s8], $0x0  }
0x24: {  	s3 =	sadd.s32 $0x88, s3;
	s6 =	simm.s32 @!p1 $0x1082;
	[sflag:s4] =	ssyncset.s32 $0xFFFFF086  }
0x25: {  	[simem:s6], [sflag:s4] =	dma.local [hbm:s3], $0xF7A  }
0x26: {  	[smem:$0x3F93] =	sst s1;
	(tag) =	ssettag s2;
	_ =	strace s9  }
0x27: {  	s1 =	sld [smem:$0x3FA3]  }
0x28: {  	s2 =	sld [smem:$0x3FA4]  }
0x29: {  	s4 =	sld [smem:$0x3FA6]  }
0x2a: {  	p0 =	seq.s32 s5, $0x0;
	s5 =	sld [smem:$0x3FA7]  }
0x2b: {  	s6 =	sld [smem:$0x3FA8]  }
0x2c: {  	s7 =	sld [smem:$0x3FA9]  }
0x2d: {  	s3 =	simm.s32 $0x108;
	s8 =	sld [smem:$0x3FAA]  }
0x2e: {  	s3 =	simm.s32 @!p0 $0x1082;
	s9 =	sld [smem:$0x3FAB]  }
0x2f: {  	lr =	sadd.s32 s0, s3;
	s0 =	sld [smem:$0x3FA2]  }
0x30: {  	s3 =	sld [smem:$0x3FA5]  }
0x31: {  	[smem:$0x3FAE] =	sst s10  }
0x32: {  	s10 =	sld [smem:$0x3FAC];
	_ =	sdelay $0x3  }
0x33: {  	p0 =	seq.s32 s10, $0x1;
	s10 =	sld [smem:$0x3FAE];
	_ =	sdelay $0x3  }
0x34: {  	[smem:$0x3FAE] =	sst s10  }
0x35: {  	s10 =	sld [smem:$0x3FAD];
	_ =	sdelay $0x3  }
0x36: {  	p1 =	seq.s32 s10, $0x1;
	s10 =	sld [smem:$0x3FAE];
	_ =	sdelay $0x3  }
0x37: {  	[smem:$0x3FAE] =	sst s10  }
0x38: {  	s10 =	sld [smem:$0x3FAF]  }
0x39: {  	_ = 	snop;
	(pc) =	sbr.ind lr, $3  }
0x3a: {  	_ = 	snop  }
0x3b: {  	_ = 	snop  }
0x3c: {  	p2 =	seq.s32 s10, $0x1;
	s10 =	sld [smem:$0x3FAE]  }
0x3d: {  	_ =	shalt  }
0x3e: {  	_ =	shalt  }
0x3f: {  	_ =	shalt  }
0x40: {  	_ =	shalt  }
0x41: {  	_ =	shalt  }
0x42: {  	_ =	shalt  }
0x43: {  	_ =	shalt  }
0x44: {  	_ =	shalt  }
0x45: {  	_ =	shalt  }
0x46: {  	_ =	shalt  }
0x47: {  	_ =	shalt  }
0x48: {  	_ =	shalt  }
0x49: {  	_ =	shalt  }
0x4a: {  	_ =	shalt  }
0x4b: {  	_ =	shalt  }
0x4c: {  	_ =	shalt  }
0x4d: {  	_ =	shalt  }
0x4e: {  	_ =	shalt  }
0x4f: {  	_ =	shalt  }
0x50: {  	_ =	shalt  }
0x51: {  	_ =	shalt  }
0x52: {  	_ =	shalt  }
0x53: {  	_ =	shalt  }
0x54: {  	_ =	shalt  }
0x55: {  	_ =	shalt  }
0x56: {  	_ =	shalt  }
0x57: {  	_ =	shalt  }
0x58: {  	_ =	shalt  }
0x59: {  	_ =	shalt  }
0x5a: {  	_ =	shalt  }
0x5b: {  	_ =	shalt  }
0x5c: {  	_ =	shalt  }
0x5d: {  	_ =	shalt  }
0x5e: {  	_ =	shalt  }
0x5f: {  	_ =	shalt  }
0x60: {  	_ =	shalt  }
0x61: {  	_ =	shalt  }
0x62: {  	_ =	shalt  }
0x63: {  	_ =	shalt  }
0x64: {  	_ =	shalt  }
0x65: {  	_ =	shalt  }
0x66: {  	_ =	shalt  }
0x67: {  	_ =	shalt  }
0x68: {  	_ =	shalt  }
0x69: {  	_ =	shalt  }
0x6a: {  	_ =	shalt  }
0x6b: {  	_ =	shalt  }
0x6c: {  	_ =	shalt  }
0x6d: {  	_ =	shalt  }
0x6e: {  	_ =	shalt  }
0x6f: {  	_ =	shalt  }
0x70: {  	_ =	shalt  }
0x71: {  	_ =	shalt  }
0x72: {  	_ =	shalt  }
0x73: {  	_ =	shalt  }
0x74: {  	_ =	shalt  }
0x75: {  	_ =	shalt  }
0x76: {  	_ =	shalt  }
0x77: {  	_ =	shalt  }
0x78: {  	_ =	shalt  }
0x79: {  	_ =	shalt  }
0x7a: {  	_ =	shalt  }
0x7b: {  	_ =	shalt  }
0x7c: {  	_ =	shalt  }
0x7d: {  	_ =	shalt  }
0x7e: {  	_ =	shalt  }
0x7f: {  	_ =	shalt  }
0x80: {  	_ =	shalt  }
0x81: {  	_ =	shalt  }
0x82: {  	_ =	shalt  }
0x83: {  	_ =	shalt  }
0x84: {  	_ =	shalt  }
0x85: {  	_ =	shalt  }
0x86: {  	_ =	shalt  }
0x87: {  	_ =	shalt  }
.Lfunc_end0:
.L_simem_size_0:
called_computation.1_lowered:
.L_overlay_start_0:
0x88: {  	s2 =	sld [smem:$0x3FD9]  }
0x89: {  	s3 =	sld [smem:$0x3FFE];
	_ =	sdelay $0x1  }
0x8a: {  	s1 =	srdreg.scid  }
0x8b: {  	s0 =	sand.u32 $0x1, s1  }
0x8c: {  	s17 =	sshll.u32 s0, $0xA;
	s2 =	sadd.s32 s3, s2  }
0x8d: {  	s2 =	sadd.s32 s2, s17  }
0x8e: {  	[smem:$0x3FBA] =	sst s2  }
0x8f: {  	_ = 	snop  }
0x90: {  	s18 =	sld [smem:$0x3FC8];
	(tm) =	ssettm $0x1  }
0x91: {  	s19 =	sld [smem:$0x3FFB];
	_ =	sdelay $0x3  }
0x92: {  	_ =	strace s19  }
0x93: {  	s2 =	sld [smem:$0x3FFC];
	_ =	sdelay $0x3  }
0x94: {  	_ =	strace s2  }
0x95: {  	s2 =	sld [smem:$0x3FFD];
	_ =	sdelay $0x3  }
0x96: {  	_ =	strace s2  }
0x97: {  	_ =	strace $0x8FFFFFFF  }
0x98: {  	s20 =	sld [smem:$0x3FDB];
	_ =	sdelay $0x1  }
0x99: {  	s4 =	simm.s32 $_scs_section_size  }
0x9a: {  	s5 =	simm.s32 $_size__tile_overlayer_lowered;
	s6 =	simm.s32 $_tile_overlayer_lowered  }
0x9b: {  	s7 =	simm.s32 $0x1BFF;
	s21 =	sshll.u32 s6, $0x1;
	s4 =	sadd.s32 s4, s20  }
0x9c: {  	s22 =	simm.s32 $0x0;
	s5 =	sshll.u32 s5, $0x1;
	s6 =	sadd.s32 s21, s4  }
0x9d: {  	[timem:s22], [sflag:s7] =	dma.local [hbm:s6], s5  }
0x9e: {  	_ =	swait.ge [sflag:s7], s5  }
0x9f: {  	s5 =	ssub.s32 $0x0, s5;
	[sflag:s7] =	ssyncset.done $0x0  }
0xa0: {  	[sflag:s7] =	ssyncadd.s32 s5;
	_ =	sdelay $0x1  }
0xa1: {  	s23 =	simm.s32 $0x1B8B  }
0xa2: {  	_ =	swait.ge [sflag:s23], $0x1  }
0xa3: {  	[sflag:s23] =	ssyncset.done $0x0  }
0xa4: {  	[sflag:s23] =	ssyncadd.s32 $0xFFFFFFFF  }
0xa5: {  	s5 =	sld [smem:$0x0]  }
0xa6: {  	s6 =	sand.u32 $0xFFFFFFFE, s1  }
0xa7: {  	p0 =	sne.s32 s1, s6  }
0xa8: {  	s6 =	sshll.u32 @p0 s6, $0xE  }
0xa9: {  	s6 =	sadd.s32 @p0 $0x11B8D, s6;
	s7 =	sshll.u32 @p0 s5, $0x11  }
0xaa: {  	s6 =	sor.u32 @p0 s7, s6  }
0xab: {  	[sflag:s6] =	ssyncadd.remote.s32 @p0 $0x1;
	_ =	sdelay $0x1  }
0xac: {  	s6 =	simm.s32 @p0 $0x1B8D  }
0xad: {  	_ =	swait.eq @p0 [sflag:s6], $0x1  }
0xae: {  	[sflag:s6] =	ssyncadd.s32 @p0 $0xFFFFFFFF  }
0xaf: {  	s7 =	sshll.u32 @!p0 s1, $0xE  }
0xb0: {  	s7 =	sor.u32 @!p0 $0x4000, s7;
	s6 =	simm.s32 @!p0 $0x1B8D  }
0xb1: {  	s5 =	sshll.u32 @!p0 s5, $0x11;
	s7 =	sadd.s32 @!p0 $0x11B8D, s7;
	_ =	swait.eq @!p0 [sflag:s6], $0x1  }
0xb2: {  	s5 =	sor.u32 @!p0 s5, s7;
	[sflag:s6] =	ssyncadd.s32 @!p0 $0xFFFFFFFF  }
0xb3: {  	s25 =	simm.s32 $0x1B8E;
	s24 =	sld [smem:$0x3FFE];
	[sflag:s5] =	ssyncadd.remote.s32 @!p0 $0x1  }
0xb4: {  	s26 =	simm.s32 $execute0_lowered;
	[smem:$0x3FD2] =	sst s25  }
0xb5: {  	s6 =	sshll.u32 s26, $0x1;
	_ =	strace $0x80000050;
	[dreg:$0x1] =	wrdreg $0xFFFFFFFF  }
0xb6: {  	s28 =	simm.s32 $_size_execute0_lowered;
	s4 =	sadd.s32 s4, s6;
	[dreg:$0x0] =	wrdreg $0x0  }
0xb7: {  	s6 =	sshll.u32 s28, $0x1;
	[dreg:$0x2] =	wrdreg s4  }
0xb8: {  	[dreg:$0x3] =	wrdreg s6  }
0xb9: {  	[dreg:$0x4] =	wrdreg $0xC0  }
0xba: {  	_ =	task [dreg:s22], $0x5FFFF  }
0xbb: {  	[dreg:$0x1] =	wrdreg $0xFFFFFFFF  }
0xbc: {  	[dreg:$0x0] =	wrdreg $0x60  }
0xbd: {  	[dreg:$0x2] =	wrdreg s18  }
0xbe: {  	[dreg:$0x3] =	wrdreg s24  }
0xbf: {  	[dreg:$0x4] =	wrdreg $0xA  }
0xc0: {  	_ =	task.clear_ibuf [dreg:s22], $0x5FFFF;
	_ =	strace $0x90000050  }
0xc1: {  	s29 =	simm.s32 $0xA;
	_ =	strace $0x80000059  }
0xc2: {  	_ =	swait.ge [sflag:s29], $0x1  }
0xc3: {  	[sflag:s29] =	ssyncadd.s32 $0xFFFFFFFF  }
0xc4: {  	_ =	strace $0x90000059  }
0xc5: {  	_ =	sfence  }
0xc6: {  	s30 =	sld [smem:$0x0];
	_ =	sdelay $0x2  }
0xc7: {  	s31 =	sshll.u32 s1, $0xD;
	s1 =	sshrl.u32 s1, $0x2  }
0xc8: {  	s4 =	sand.u32 $0x4000, s31;
	s1 =	sadd.s32 s1, s30  }
0xc9: {  	s0 =	sor.u32 s4, s0;
	s1 =	sshll.u32 s1, $0x11  }
0xca: {  	s0 =	sor.u32 s1, s0  }
0xcb: {  	s0 =	sadd.s32 $0x8F2B, s0  }
0xcc: {  	[sflag:s0] =	ssyncadd.remote.s32 $0x1  }
0xcd: {  	_ =	sfence.sel $0xFFFF  }
0xce: {  	[dreg:$0x0] =	wrdreg $0xFFFFFFFF;
	(pc) =	sbr.abs _section_cstart, $3  }
0xcf: {  	[dreg:$0x1] =	wrdreg $0xFFFFFFFF  }
0xd0: {  	_ =	task.clear_ibuf [dreg:s22], $0x2FFFF;
	_ =	strace $0x9FFFFFFF  }
0xd1: {  	(tm) =	ssettm $0x7FFFFFFF  }
tec
execute0_lowered:
.L_overlay_start_1:
0x0: {  	(tag) =	ssettag $0x1  }
0x1: {  	s1 =	rddreg [dreg:$0x0]  }
0x2: {  	s4 =	rddreg [dreg:$0x1];
	s2 =	srdreg.scid  }
0x3: {  	s0 =	rddreg [dreg:$0x2];
	s3 =	simm.s32 $0x0;
	s10 =	simm.s32 $0x0  }
0x4: {  	s5 =	sand.u32 $0x1, s2;
	[smem:$0x7FF] =	sst s3;
	s2 =	stileid.u32  }
0x5: {  	s7 =	sadd.s32 $0x63200, s4;
	s4 =	sadd.s32 $0x62A00, s4;
	s6 =	sshll.u32 s5, $0x4  }
0x6: {  	_ =	strace $0x80000051;
	s5 =	ssub.s32 $0x2, s5;
	s6 =	sor.u32 s2, s6  }
0x7: {  	v2 =	vlaneseq.u32;
	[dreg:$0x3] =	wrdreg s7;
	s8 =	sshrl.u32 s5, $0x1;
	s9 =	smul.u32 $0x30, s6  }
0x8: {  	vm0 =	vmmov $0xffff;
	v1 =	vshrl.u32 v2, $0x3;
	s31 =	ssub.s32 s5, s8;
	s5 =	smul.u32 $0x3, s6;
	s8 =	simm.s32 $0x5  }
0x9: {  	v0 =	vand.u32 $0x7, v2;
	v2 =	vor.u32 $0x8, v2;
	v1 =	vmul.u32 $0x8, v1;
	s7 =	smax.u32 s31, $0x1;
	s6 =	sadd.s32 s4, s9;
	s9 =	simm.s32 $0x3  }
.LBB2_1:
0xa: {  	_ =	strace $0x80000052;
	s11 =	simm.s32 $0x2  }
0xb: {  	s12 =	simm.s32 $0x0;
	s13 =	simm.s32 $0x0;
	s14 =	simm.s32 $0x0  }
0xc: {  	[tilespmem:s3], [sflag:$0x1] =	stream.linear.gather [hbm4b:s6+s3], $0x80, $0x200038;
	[tilespmem:$0x10100] =	vst v63  }
0xd: {  	s15 =	simm.s32 $0x0;
	s16 =	simm.s32 $0x1;
	_ =	strace $0x90000052  }
.LBB2_2:
0xe: {  	s17 =	smov.u32 s12;
	s12 =	sadd.s32 $0x1, s12  }
0xf: {  	p0 =	seq.s32 s12, $0x3  }
0x10: {  	s12 =	simm.s32 @p0 $0x0  }
0x11: {  	p6 =	sne.s32 s11, $0x0;
	p1 =	sne.s32 s17, s12  }
0x12: {  	p0 =	por !p6, !p1  }
0x13: {  	p0 =	por !p0, !p0  }
0x14: {  	s18 =	sadd.s32 @p0 s5, s12  }
0x15: {  	s19 =	sand.u32 @p0 $0x1, s16;
	s18 =	sshll.u32 @p0 s18, $0x4  }
0x16: {  	_ =	strace @p0 $0x80000053;
	s21 =	simm.s32 @p0 $0x0;
	s18 =	sand.u32 @p0 $0x1FFFFFF0, s18  }
0x17: {  	s20 =	sshll.u32 @p0 s19, $0x7;
	s19 =	sadd.s32 @p0 $0x1, s19;
	s18 =	sadd.s32 @p0 s4, s18  }
0x18: {  	[tilespmem:s20], [sflag:s19] =	stream.linear.gather @p0 [hbm4b:s18+s21], $0x80, $0x200038;
	[tilespmem:$0x10100] =	vst v63  }
0x19: {  	s24 =	sand.u32 $0x1, s15;
	_ =	strace @p0 $0x90000053  }
0x1a: {  	s18 =	sadd.s32 $0x1, s24;
	_ =	strace $0x80000054  }
0x1b: {  	_ =	swait.ge [sflag:s18], $0x80  }
0x1c: {  	[sflag:s18] =	ssyncset.done $0x0  }
0x1d: {  	[sflag:s18] =	ssyncadd.s32 $0xFFFFFF80  }
0x1e: {  	s25 =	sshll.u32 s15, $0x7;
	_ =	strace $0x90000054  }
0x1f: {  	s21 =	sand.u32 $0x80, s25;
	_ =	strace $0x80000055  }
0x20: {  	v3 =	vld [tilespmem:s21+$0x0];
	_ =	sdelay $0x4  }
0x21: {  	v4 =	vshll.u32 v3, $0x1  }
0x22: {  	v3 =	vand.u32 $0x7, v3;
	v4 =	vand.u32 $0xFFFFFFF0, v4  }
0x23: {  	v3 =	vor.u32 v3, v4  }
0x24: {  	v4 =	vperm.xlane v3, v0;
	_ =	sdelay $0x1  }
0x25: {  	v3 =	vperm.xlane v3, v2;
	v4 =	vadd.s32 v1, v4;
	_ =	sdelay $0x1  }
0x26: {  	s18 =	sand.u32 $0x1, s14;
	v3 =	vadd.s32 v1, v3  }
0x27: {  	s20 =	sshll.u32 s18, $0xF  }
0x28: {  	s19 =	sor.u32 $0x100, s20  }
0x29: {  	[tilespmem:s19], [sflag:$0x5] =	stream.indirect_vreg.gather [hbm4b:s1+s3], $0x80, v4, vm0, $0x2000b8;
	[tilespmem:$0x10100] =	vst v63  }
0x2a: {  	s22 =	sor.u32 $0x900, s20  }
0x2b: {  	[tilespmem:s22], [sflag:$0x5] =	stream.indirect_vreg.gather [hbm4b:s1+s3], $0x80, v3, vm0, $0x2000b8;
	[tilespmem:$0x10100] =	vst v63  }
0x2c: {  	v3 =	vld [tilespmem:s21+$0x10];
	_ =	sdelay $0x4  }
0x2d: {  	v57 =	vshll.u32 v3, $0x1  }
0x2e: {  	v3 =	vand.u32 $0x7, v3;
	v4 =	vand.u32 $0xFFFFFFF0, v57  }
0x2f: {  	v3 =	vor.u32 v3, v4  }
0x30: {  	v4 =	vperm.xlane v3, v0;
	_ =	sdelay $0x1  }
0x31: {  	v3 =	vperm.xlane v3, v2;
	v4 =	vadd.s32 v1, v4;
	_ =	sdelay $0x1  }
0x32: {  	v3 =	vadd.s32 v1, v3;
	_ =	sdelay $0x1  }
0x33: {  	s26 =	sor.u32 $0x1100, s20  }
0x34: {  	[tilespmem:s26], [sflag:$0x5] =	stream.indirect_vreg.gather [hbm4b:s1+s3], $0x80, v4, vm0, $0x2000b8;
	[tilespmem:$0x10100] =	vst v63  }
0x35: {  	s28 =	sor.u32 $0x1900, s20  }
0x36: {  	[tilespmem:s28], [sflag:$0x5] =	stream.indirect_vreg.gather [hbm4b:s1+s3], $0x80, v3, vm0, $0x2000b8;
	[tilespmem:$0x10100] =	vst v63  }
0x37: {  	v3 =	vld [tilespmem:s21+$0x20];
	_ =	sdelay $0x4  }
0x38: {  	v58 =	vshll.u32 v3, $0x1  }
0x39: {  	v3 =	vand.u32 $0x7, v3;
	v4 =	vand.u32 $0xFFFFFFF0, v58  }
0x3a: {  	v3 =	vor.u32 v3, v4  }
0x3b: {  	v4 =	vperm.xlane v3, v0;
	_ =	sdelay $0x1  }
0x3c: {  	v3 =	vperm.xlane v3, v2;
	v4 =	vadd.s32 v1, v4;
	_ =	sdelay $0x1  }
0x3d: {  	v3 =	vadd.s32 v1, v3;
	_ =	sdelay $0x1  }
0x3e: {  	s29 =	sor.u32 $0x2100, s20  }
0x3f: {  	[tilespmem:s29], [sflag:$0x5] =	stream.indirect_vreg.gather [hbm4b:s1+s3], $0x80, v4, vm0, $0x2000b8;
	[tilespmem:$0x10100] =	vst v63  }
0x40: {  	s30 =	sor.u32 $0x2900, s20  }
0x41: {  	[tilespmem:s30], [sflag:$0x5] =	stream.indirect_vreg.gather [hbm4b:s1+s3], $0x80, v3, vm0, $0x2000b8;
	[tilespmem:$0x10100] =	vst v63  }
0x42: {  	v3 =	vld [tilespmem:s21+$0x30];
	_ =	sdelay $0x4  }
0x43: {  	v59 =	vshll.u32 v3, $0x1  }
0x44: {  	v3 =	vand.u32 $0x7, v3;
	v4 =	vand.u32 $0xFFFFFFF0, v59  }
0x45: {  	v3 =	vor.u32 v3, v4  }
0x46: {  	v4 =	vperm.xlane v3, v0;
	_ =	sdelay $0x1  }
0x47: {  	v3 =	vperm.xlane v3, v2;
	v4 =	vadd.s32 v1, v4;
	_ =	sdelay $0x1  }
0x48: {  	v3 =	vadd.s32 v1, v3;
	_ =	sdelay $0x1  }
0x49: {  	s31 =	sor.u32 $0x3100, s20  }
0x4a: {  	[tilespmem:s31], [sflag:$0x5] =	stream.indirect_vreg.gather [hbm4b:s1+s3], $0x80, v4, vm0, $0x2000b8;
	[tilespmem:$0x10100] =	vst v63  }
0x4b: {  	s23 =	sor.u32 $0x3900, s20  }
0x4c: {  	[tilespmem:s23], [sflag:$0x5] =	stream.indirect_vreg.gather [hbm4b:s1+s3], $0x80, v3, vm0, $0x2000b8;
	[tilespmem:$0x10100] =	vst v63  }
0x4d: {  	v3 =	vld [tilespmem:s21+$0x40];
	_ =	sdelay $0x4  }
0x4e: {  	v60 =	vshll.u32 v3, $0x1  }
0x4f: {  	v3 =	vand.u32 $0x7, v3;
	v4 =	vand.u32 $0xFFFFFFF0, v60  }
0x50: {  	v3 =	vor.u32 v3, v4  }
0x51: {  	v4 =	vperm.xlane v3, v0;
	_ =	sdelay $0x1  }
0x52: {  	v3 =	vperm.xlane v3, v2;
	v4 =	vadd.s32 v1, v4;
	_ =	sdelay $0x1  }
0x53: {  	v3 =	vadd.s32 v1, v3;
	_ =	sdelay $0x1  }
0x54: {  	s24 =	sor.u32 $0x4100, s20  }
0x55: {  	[tilespmem:s24], [sflag:$0x5] =	stream.indirect_vreg.gather [hbm4b:s1+s3], $0x80, v4, vm0, $0x2000b8;
	[tilespmem:$0x10100] =	vst v63  }
0x56: {  	s25 =	sor.u32 $0x4900, s20  }
0x57: {  	[tilespmem:s25], [sflag:$0x5] =	stream.indirect_vreg.gather [hbm4b:s1+s3], $0x80, v3, vm0, $0x2000b8;
	[tilespmem:$0x10100] =	vst v63  }
0x58: {  	v3 =	vld [tilespmem:s21+$0x50];
	_ =	sdelay $0x4  }
0x59: {  	v61 =	vshll.u32 v3, $0x1  }
0x5a: {  	v3 =	vand.u32 $0x7, v3;
	v4 =	vand.u32 $0xFFFFFFF0, v61  }
0x5b: {  	v3 =	vor.u32 v3, v4  }
0x5c: {  	v4 =	vperm.xlane v3, v0;
	_ =	sdelay $0x1  }
0x5d: {  	v3 =	vperm.xlane v3, v2;
	v4 =	vadd.s32 v1, v4;
	_ =	sdelay $0x1  }
0x5e: {  	v3 =	vadd.s32 v1, v3;
	_ =	sdelay $0x1  }
0x5f: {  	s26 =	sor.u32 $0x5100, s20  }
0x60: {  	[tilespmem:s26], [sflag:$0x5] =	stream.indirect_vreg.gather [hbm4b:s1+s3], $0x80, v4, vm0, $0x2000b8;
	[tilespmem:$0x10100] =	vst v63  }
0x61: {  	s28 =	sor.u32 $0x5900, s20  }
0x62: {  	[tilespmem:s28], [sflag:$0x5] =	stream.indirect_vreg.gather [hbm4b:s1+s3], $0x80, v3, vm0, $0x2000b8;
	[tilespmem:$0x10100] =	vst v63  }
0x63: {  	v3 =	vld [tilespmem:s21+$0x60];
	_ =	sdelay $0x4  }
0x64: {  	v62 =	vshll.u32 v3, $0x1  }
0x65: {  	v3 =	vand.u32 $0x7, v3;
	v4 =	vand.u32 $0xFFFFFFF0, v62  }
0x66: {  	v3 =	vor.u32 v3, v4  }
0x67: {  	v4 =	vperm.xlane v3, v0;
	_ =	sdelay $0x1  }
0x68: {  	v3 =	vperm.xlane v3, v2;
	v4 =	vadd.s32 v1, v4;
	_ =	sdelay $0x1  }
0x69: {  	v3 =	vadd.s32 v1, v3;
	_ =	sdelay $0x1  }
0x6a: {  	s29 =	sor.u32 $0x6100, s20  }
0x6b: {  	[tilespmem:s29], [sflag:$0x5] =	stream.indirect_vreg.gather [hbm4b:s1+s3], $0x80, v4, vm0, $0x2000b8;
	[tilespmem:$0x10100] =	vst v63  }
0x6c: {  	s30 =	sor.u32 $0x6900, s20  }
0x6d: {  	[tilespmem:s30], [sflag:$0x5] =	stream.indirect_vreg.gather [hbm4b:s1+s3], $0x80, v3, vm0, $0x2000b8;
	[tilespmem:$0x10100] =	vst v63  }
0x6e: {  	v3 =	vld [tilespmem:s21+$0x70];
	_ =	sdelay $0x4  }
0x6f: {  	v63 =	vshll.u32 v3, $0x1  }
0x70: {  	v3 =	vand.u32 $0x7, v3;
	v4 =	vand.u32 $0xFFFFFFF0, v63  }
0x71: {  	v3 =	vor.u32 v3, v4  }
0x72: {  	v4 =	vperm.xlane v3, v0;
	_ =	sdelay $0x1  }
0x73: {  	v3 =	vperm.xlane v3, v2;
	v4 =	vadd.s32 v1, v4;
	_ =	sdelay $0x1  }
0x74: {  	v3 =	vadd.s32 v1, v3;
	_ =	sdelay $0x1  }
0x75: {  	s31 =	sor.u32 $0x7100, s20  }
0x76: {  	[tilespmem:s31], [sflag:$0x5] =	stream.indirect_vreg.gather [hbm4b:s1+s3], $0x80, v4, vm0, $0x2000b8;
	[tilespmem:$0x10100] =	vst v63  }
0x77: {  	s20 =	sor.u32 $0x7900, s20  }
0x78: {  	[tilespmem:s20], [sflag:$0x5] =	stream.indirect_vreg.gather [hbm4b:s1+s3], $0x80, v3, vm0, $0x2000b8;
	[tilespmem:$0x10100] =	vst v63  }
0x79: {  	_ =	swait.ge [sflag:s8], $0x8000  }
0x7a: {  	p2 =	seq.s32 s11, $0x0;
	[sflag:s8] =	ssyncset.done $0x0  }
0x7b: {  	s17 =	sadd.s32 s5, s17;
	p1 =	por p2, p1;
	[sflag:s8] =	ssyncadd.s32 $0xFFFF8000  }
0x7c: {  	s17 =	sshll.u32 @p1 s17, $0xC;
	_ =	strace $0x90000055  }
0x7d: {  	s17 =	sand.u32 @p1 $0x1FFFF000, s17;
	s21 =	simm.s32 $0x1;
	_ =	strace @p1 $0x80000056  }
0x7e: {  	s18 =	sadd.s32 @p1 $0x3, s18;
	s21 =	simm.s32 @!p0 $0x0;
	s20 =	rddreg [dreg:$0x3]  }
0x7f: {  	p0 =	seq.s32 s11, $0x2;
	s17 =	sadd.s32 @p1 s20, s17;
	s20 =	simm.s32 @p1 $0x0  }
0x80: {  	[hbm4b:s17+s20] =	stream.linear.scatter @p1 [tilespmem:s19], [sflag:s18], $0x8000, $0x200038;
	[tilespmem:$0x10100] =	vst v63  }
0x81: {  	s17 =	simm.s32 $0x1;
	s19 =	simm.s32 $0x1;
	_ =	strace @p1 $0x90000056  }
0x82: {  	s17 =	simm.s32 @!p1 $0x0;
	p1 =	sne.s32 s11, $0x2;
	s11 =	sadd.s32 $0xFFFFFFFF, s11  }
0x83: {  	s18 =	sand.u32 @!p0 $0x1, s13;
	s19 =	simm.s32 @!p1 $0x0;
	p1 =	sne.s32 s11, $0xFFFFFFFF  }
.Ltmp0:
0x84: {  	s18 =	sadd.s32 @!p0 $0x3, s18;
	_ =	strace @!p0 $0x80000057;
	(pc) =	sbr.rel @p1 .LBB2_2-.Ltmp0, $4  }
0x85: {  	_ =	swait.ge @!p0 [sflag:s18], $0x8000  }
0x86: {  	[sflag:s18] =	ssyncset.done @!p0 $0x0  }
0x87: {  	s16 =	sadd.s32 s21, s16;
	s14 =	sadd.s32 s17, s14;
	[sflag:s18] =	ssyncadd.s32 @!p0 $0xFFFF8000  }
0x88: {  	s15 =	sadd.s32 s17, s15;
	s13 =	sadd.s32 s19, s13;
	_ =	strace @!p0 $0x90000057  }
0x89: {  	s10 =	sadd.s32 $0x1, s10  }
0x8a: {  	p0 =	sne.s32 s10, s7  }
.Ltmp1:
0x8b: {  	_ =	strace $0x80000058;
	(pc) =	sbr.rel @p0 .LBB2_1-.Ltmp1, $4  }
0x8c: {  	_ =	swait.ge [sflag:s9], $0x8000  }
0x8d: {  	[sflag:s9] =	ssyncset.done $0x0  }
0x8e: {  	[sflag:s9] =	ssyncadd.s32 $0xFFFF8000  }
0x8f: {  	_ =	strace $0x90000058  }
0x90: {  	_ =	sfence.sel $0x180000  }
0x91: {  	[bflag:$0x0] =	sbarrier.arrive $0xFFFF  }
0x92: {  	p0 =	sne.s32 s2, $0x0;
	_ =	strace $0x90000051  }
0x93: {  	s0 =	sadd.s32 @!p0 $0x100000, s0;
	[bflag:$0x2] =	sbarrier.arrive $0xFFFF  }
0x94: {  	[sflag:s0] =	ssyncadd.tile.s32 @!p0 $0x1;
	_ =	shalt  }
.Lfunc_end2:
_tile_overlayer_lowered:
.L_overlay_start_2:
0x95: {  	(tag) =	ssettag $0x2  }
0x96: {  	s0 =	rddreg [dreg:$0x0];
	s2 =	stileid.u32  }
0x97: {  	s1 =	rddreg [dreg:$0x1];
	p0 =	sne.s32 s2, $0x0  }
0x98: {  	s3 =	rddreg [dreg:$0x2];
	[bflag:$0x3] =	sbarrier.arrive $0xFFFF;
	s2 =	simm.s32 @!p0 $0x1C01  }
0x99: {  	[timem:s3], [sflag:s2] =	dma.local @!p0 [hbm:s0], s1  }
0x9a: {  	s0 =	simm.s32 @!p0 $0x1  }
0x9b: {  	_ =	swait.ge @!p0 [sflag:s0], s1  }
0x9c: {  	s1 =	ssub.s32 @!p0 $0x0, s1;
	[sflag:s0] =	ssyncset.done @!p0 $0x0  }
0x9d: {  	[sflag:s0] =	ssyncadd.s32 @!p0 s1  }
0x9e: {  	[bflag:$0x3] =	sbarrier.arrive $0xFFFF  }
0x9f: {  	_ =	shalt  }

// kernel: kernel.7.cloned.1.call-start
scs
__scs_entry_jumppad:
0x0: {  	(pc) =	sbr.rel $0x88, $3  }
0x1: {  	(tag) =	ssettag $0x0;
	lr =	simm.s32 $0x1  }
0x2: {  	[smem:$0x3F93] =	sst lr;
	_ =	strace $0xD0000000  }
0x3: {  	_ = 	snop  }
0x4: {  	_ = 	snop  }
0x5: {  	_ = 	snop  }
0x6: {  	_ = 	snop  }
0x7: {  	_ = 	snop  }
__scs_overlays_trampoline_lowered:
0x8: {  	[smem:$0x3FA2] =	sst s0  }
0x9: {  	[smem:$0x3FA3] =	sst s1  }
0xa: {  	[smem:$0x3FA4] =	sst s2  }
0xb: {  	[smem:$0x3FA5] =	sst s3  }
0xc: {  	[smem:$0x3FA6] =	sst s4  }
0xd: {  	[smem:$0x3FA7] =	sst s5  }
0xe: {  	[smem:$0x3FA8] =	sst s6  }
0xf: {  	[smem:$0x3FA9] =	sst s7  }
0x10: {  	[smem:$0x3FAA] =	sst s8  }
0x11: {  	[smem:$0x3FAB] =	sst s9;
	s0 =	simm.s32 @!p0 $0x0  }
0x12: {  	s1 =	sld [smem:$0x3F91];
	s0 =	simm.s32 @p0 $0x1  }
0x13: {  	[smem:$0x3FAC] =	sst s0;
	s0 =	simm.s32 @!p1 $0x0  }
0x14: {  	s2 =	sld [smem:$0x3F90];
	s0 =	simm.s32 @p1 $0x1  }
0x15: {  	[smem:$0x3FAD] =	sst s0;
	s0 =	simm.s32 @!p2 $0x0  }
0x16: {  	s3 =	sld [smem:$0x3FDB];
	s0 =	simm.s32 @p2 $0x1  }
0x17: {  	s4 =	simm.s32 $0x1BF5;
	[smem:$0x3FAF] =	sst s0  }
0x18: {  	s0 =	sld [smem:$0x3F92];
	_ =	swait.ge [sflag:s4], $0x0  }
0x19: {  	s7 =	sld [smem:$0x3F93]  }
0x1a: {  	s8 =	sadd.s32 $0xFFFFE003, lr  }
0x1b: {  	s9 =	sadd.s32 $0xFFFFFEF7, lr;
	s5 =	simm.s32 $0xFFFFFFFF;
	p2 =	slt.u32 s8, $0xFFFFF086  }
0x1c: {  	p1 =	slt.u32 s9, $0xF7A;
	s5 =	simm.s32 @!p2 $0x0  }
0x1d: {  	s5 =	simm.s32 @p1 $0x1;
	p0 =	seq.s32 s7, s2  }
0x1e: {  	s7 =	smul.u32 @!p0 $0xF7A, s2;
	p2 =	seq.s32 @!p0 s5, $0x0  }
0x1f: {  	s9 =	smul.u32 $0xF7A, s1;
	s8 =	simm.s32 @!p0 $0x1BF5;
	p2 =	por !p2, p0  }
0x20: {  	[sflag:s8] =	ssyncset.s32 @!p0 $0xFFFFF086;
	s6 =	sadd.s32 @!p0 s3, s7;
	s7 =	simm.s32 @!p0 $0x108  }
0x21: {  	s3 =	sadd.s32 s3, s9;
	s6 =	sadd.s32 @!p0 $0x88, s6;
	s7 =	simm.s32 @p2 $0x1082  }
0x22: {  	[simem:s7], [sflag:s8] =	dma.local @!p0 [hbm:s6], $0xF7A  }
0x23: {  	s9 =	sor.u32 $0xD0000000, s2;
	s6 =	simm.s32 $0x108;
	_ =	swait.ge @!p0 [sflag:s8], $0x0  }
0x24: {  	s3 =	sadd.s32 $0x88, s3;
	s6 =	simm.s32 @!p1 $0x1082;
	[sflag:s4] =	ssyncset.s32 $0xFFFFF086  }
0x25: {  	[simem:s6], [sflag:s4] =	dma.local [hbm:s3], $0xF7A  }
0x26: {  	[smem:$0x3F93] =	sst s1;
	(tag) =	ssettag s2;
	_ =	strace s9  }
0x27: {  	s1 =	sld [smem:$0x3FA3]  }
0x28: {  	s2 =	sld [smem:$0x3FA4]  }
0x29: {  	s4 =	sld [smem:$0x3FA6]  }
0x2a: {  	p0 =	seq.s32 s5, $0x0;
	s5 =	sld [smem:$0x3FA7]  }
0x2b: {  	s6 =	sld [smem:$0x3FA8]  }
0x2c: {  	s7 =	sld [smem:$0x3FA9]  }
0x2d: {  	s3 =	simm.s32 $0x108;
	s8 =	sld [smem:$0x3FAA]  }
0x2e: {  	s3 =	simm.s32 @!p0 $0x1082;
	s9 =	sld [smem:$0x3FAB]  }
0x2f: {  	lr =	sadd.s32 s0, s3;
	s0 =	sld [smem:$0x3FA2]  }
0x30: {  	s3 =	sld [smem:$0x3FA5]  }
0x31: {  	[smem:$0x3FAE] =	sst s10  }
0x32: {  	s10 =	sld [smem:$0x3FAC];
	_ =	sdelay $0x3  }
0x33: {  	p0 =	seq.s32 s10, $0x1;
	s10 =	sld [smem:$0x3FAE];
	_ =	sdelay $0x3  }
0x34: {  	[smem:$0x3FAE] =	sst s10  }
0x35: {  	s10 =	sld [smem:$0x3FAD];
	_ =	sdelay $0x3  }
0x36: {  	p1 =	seq.s32 s10, $0x1;
	s10 =	sld [smem:$0x3FAE];
	_ =	sdelay $0x3  }
0x37: {  	[smem:$0x3FAE] =	sst s10  }
0x38: {  	s10 =	sld [smem:$0x3FAF]  }
0x39: {  	_ = 	snop;
	(pc) =	sbr.ind lr, $3  }
0x3a: {  	_ = 	snop  }
0x3b: {  	_ = 	snop  }
0x3c: {  	p2 =	seq.s32 s10, $0x1;
	s10 =	sld [smem:$0x3FAE]  }
0x3d: {  	_ =	shalt  }
0x3e: {  	_ =	shalt  }
0x3f: {  	_ =	shalt  }
0x40: {  	_ =	shalt  }
0x41: {  	_ =	shalt  }
0x42: {  	_ =	shalt  }
0x43: {  	_ =	shalt  }
0x44: {  	_ =	shalt  }
0x45: {  	_ =	shalt  }
0x46: {  	_ =	shalt  }
0x47: {  	_ =	shalt  }
0x48: {  	_ =	shalt  }
0x49: {  	_ =	shalt  }
0x4a: {  	_ =	shalt  }
0x4b: {  	_ =	shalt  }
0x4c: {  	_ =	shalt  }
0x4d: {  	_ =	shalt  }
0x4e: {  	_ =	shalt  }
0x4f: {  	_ =	shalt  }
0x50: {  	_ =	shalt  }
0x51: {  	_ =	shalt  }
0x52: {  	_ =	shalt  }
0x53: {  	_ =	shalt  }
0x54: {  	_ =	shalt  }
0x55: {  	_ =	shalt  }
0x56: {  	_ =	shalt  }
0x57: {  	_ =	shalt  }
0x58: {  	_ =	shalt  }
0x59: {  	_ =	shalt  }
0x5a: {  	_ =	shalt  }
0x5b: {  	_ =	shalt  }
0x5c: {  	_ =	shalt  }
0x5d: {  	_ =	shalt  }
0x5e: {  	_ =	shalt  }
0x5f: {  	_ =	shalt  }
0x60: {  	_ =	shalt  }
0x61: {  	_ =	shalt  }
0x62: {  	_ =	shalt  }
0x63: {  	_ =	shalt  }
0x64: {  	_ =	shalt  }
0x65: {  	_ =	shalt  }
0x66: {  	_ =	shalt  }
0x67: {  	_ =	shalt  }
0x68: {  	_ =	shalt  }
0x69: {  	_ =	shalt  }
0x6a: {  	_ =	shalt  }
0x6b: {  	_ =	shalt  }
0x6c: {  	_ =	shalt  }
0x6d: {  	_ =	shalt  }
0x6e: {  	_ =	shalt  }
0x6f: {  	_ =	shalt  }
0x70: {  	_ =	shalt  }
0x71: {  	_ =	shalt  }
0x72: {  	_ =	shalt  }
0x73: {  	_ =	shalt  }
0x74: {  	_ =	shalt  }
0x75: {  	_ =	shalt  }
0x76: {  	_ =	shalt  }
0x77: {  	_ =	shalt  }
0x78: {  	_ =	shalt  }
0x79: {  	_ =	shalt  }
0x7a: {  	_ =	shalt  }
0x7b: {  	_ =	shalt  }
0x7c: {  	_ =	shalt  }
0x7d: {  	_ =	shalt  }
0x7e: {  	_ =	shalt  }
0x7f: {  	_ =	shalt  }
0x80: {  	_ =	shalt  }
0x81: {  	_ =	shalt  }
0x82: {  	_ =	shalt  }
0x83: {  	_ =	shalt  }
0x84: {  	_ =	shalt  }
0x85: {  	_ =	shalt  }
0x86: {  	_ =	shalt  }
0x87: {  	_ =	shalt  }
.Lfunc_end0:
.L_simem_size_0:
called_computation_lowered:
.L_overlay_start_0:
0x88: {  	s2 =	sld [smem:$0x3FD9]  }
0x89: {  	s3 =	sld [smem:$0x3FFE];
	_ =	sdelay $0x1  }
0x8a: {  	s1 =	srdreg.scid  }
0x8b: {  	s0 =	sand.u32 $0x1, s1  }
0x8c: {  	s17 =	sshll.u32 s0, $0xA;
	s2 =	sadd.s32 s3, s2  }
0x8d: {  	s2 =	sadd.s32 s2, s17  }
0x8e: {  	[smem:$0x3FBA] =	sst s2  }
0x8f: {  	_ = 	snop  }
0x90: {  	s2 =	sld [smem:$0x3FC8]  }
0x91: {  	s18 =	sld [smem:$0x3FD0];
	(tm) =	ssettm $0x1  }
0x92: {  	s4 =	sld [smem:$0x3FFB];
	_ =	sdelay $0x3  }
0x93: {  	_ =	strace s4  }
0x94: {  	s4 =	sld [smem:$0x3FFC];
	_ =	sdelay $0x3  }
0x95: {  	_ =	strace s4  }
0x96: {  	s4 =	sld [smem:$0x3FFD];
	_ =	sdelay $0x3  }
0x97: {  	_ =	strace s4  }
0x98: {  	_ =	strace $0x8FFFFFFF  }
0x99: {  	s19 =	sld [smem:$0x3FDB];
	_ =	sdelay $0x1  }
0x9a: {  	s5 =	simm.s32 $_scs_section_size  }
0x9b: {  	s6 =	simm.s32 $_size__tile_overlayer_lowered;
	s7 =	simm.s32 $_tile_overlayer_lowered  }
0x9c: {  	s22 =	simm.s32 $0x1BFF;
	s21 =	sshll.u32 s7, $0x1;
	s4 =	sadd.s32 s5, s19  }
0x9d: {  	s8 =	simm.s32 $0x0;
	s20 =	sshll.u32 s6, $0x1;
	s6 =	sadd.s32 s21, s4  }
0x9e: {  	[timem:s8], [sflag:s22] =	dma.local [hbm:s6], s20  }
0x9f: {  	_ =	swait.ge [sflag:s22], s20  }
0xa0: {  	s5 =	ssub.s32 $0x0, s20;
	[sflag:s22] =	ssyncset.done $0x0  }
0xa1: {  	[sflag:s22] =	ssyncadd.s32 s5;
	_ =	sdelay $0x1  }
0xa2: {  	s23 =	simm.s32 $0x1B8B  }
0xa3: {  	_ =	swait.ge [sflag:s23], $0x1  }
0xa4: {  	[sflag:s23] =	ssyncset.done $0x0  }
0xa5: {  	s25 =	simm.s32 $0x1B8E;
	s24 =	sld [smem:$0x3FFE];
	[sflag:s23] =	ssyncadd.s32 $0xFFFFFFFF  }
0xa6: {  	s26 =	simm.s32 $execute0_lowered;
	[smem:$0x3FD2] =	sst s25  }
0xa7: {  	s6 =	sshll.u32 s26, $0x1;
	_ =	strace $0x80000046;
	[dreg:$0x1] =	wrdreg $0xFFFFFFFF  }
0xa8: {  	s28 =	simm.s32 $_size_execute0_lowered;
	s4 =	sadd.s32 s4, s6;
	[dreg:$0x0] =	wrdreg $0x0  }
0xa9: {  	s6 =	sshll.u32 s28, $0x1;
	[dreg:$0x2] =	wrdreg s4  }
0xaa: {  	[dreg:$0x3] =	wrdreg s6  }
0xab: {  	[dreg:$0x4] =	wrdreg $0xC0  }
0xac: {  	_ =	task [dreg:s8], $0x5FFFF  }
0xad: {  	[dreg:$0x1] =	wrdreg $0xFFFFFFFF  }
0xae: {  	[dreg:$0x0] =	wrdreg $0x60  }
0xaf: {  	[dreg:$0x2] =	wrdreg s2  }
0xb0: {  	[dreg:$0x3] =	wrdreg s18  }
0xb1: {  	[dreg:$0x4] =	wrdreg s24  }
0xb2: {  	[dreg:$0x5] =	wrdreg $0x9  }
0xb3: {  	_ =	task.clear_ibuf [dreg:s8], $0x6FFFF;
	_ =	strace $0x90000046  }
0xb4: {  	s29 =	simm.s32 $0x9;
	_ =	strace $0x8000004F  }
0xb5: {  	_ =	swait.ge [sflag:s29], $0x1  }
0xb6: {  	[sflag:s29] =	ssyncadd.s32 $0xFFFFFFFF  }
0xb7: {  	_ =	strace $0x9000004F  }
0xb8: {  	_ =	sfence  }
0xb9: {  	s30 =	sld [smem:$0x0];
	_ =	sdelay $0x2  }
0xba: {  	s31 =	sshll.u32 s1, $0xD;
	s1 =	sshrl.u32 s1, $0x2  }
0xbb: {  	s3 =	sand.u32 $0x4000, s31;
	s1 =	sadd.s32 s1, s30  }
0xbc: {  	s0 =	sor.u32 s3, s0;
	s1 =	sshll.u32 s1, $0x11  }
0xbd: {  	s0 =	sor.u32 s1, s0  }
0xbe: {  	s0 =	sadd.s32 $0x8F2B, s0  }
0xbf: {  	[sflag:s0] =	ssyncadd.remote.s32 $0x1  }
0xc0: {  	_ =	sfence.sel $0xFFFF  }
0xc1: {  	[dreg:$0x0] =	wrdreg $0xFFFFFFFF;
	(pc) =	sbr.abs _section_cstart, $3  }
0xc2: {  	[dreg:$0x1] =	wrdreg $0xFFFFFFFF  }
0xc3: {  	_ =	task.clear_ibuf [dreg:s8], $0x2FFFF;
	_ =	strace $0x9FFFFFFF  }
0xc4: {  	(tm) =	ssettm $0x7FFFFFFF  }
0xc5: {  	_ =	shalt  }
tec
execute0_lowered:
.L_overlay_start_1:
0x0: {  	(tag) =	ssettag $0x1  }
0x1: {  	s1 =	rddreg [dreg:$0x0]  }
0x2: {  	s2 =	rddreg [dreg:$0x1]  }
0x3: {  	s5 =	rddreg [dreg:$0x2]  }
0x4: {  	s3 =	srdreg.scid;
	s0 =	rddreg [dreg:$0x3];
	s4 =	simm.s32 $0x0  }
0x5: {  	s10 =	simm.s32 $0x0;
	s6 =	sand.u32 $0x1, s3;
	[smem:$0x7FF] =	sst s4  }
0x6: {  	s3 =	stileid.u32;
	s7 =	sshll.u32 s6, $0x4;
	s6 =	ssub.s32 $0x2, s6  }
0x7: {  	s5 =	sadd.s32 $0x2A00, s5;
	s7 =	sor.u32 s3, s7;
	s8 =	sshrl.u32 s6, $0x1  }
0x8: {  	v2 =	vlaneseq.u32;
	_ =	strace $0x80000047;
	s9 =	smul.u32 $0x30, s7;
	s8 =	ssub.s32 s6, s8  }
0x9: {  	vm0 =	vmmov $0xffff;
	v1 =	vshrl.u32 v2, $0x3;
	[dreg:$0x4] =	wrdreg s5;
	s5 =	smul.u32 $0x3, s7;
	s7 =	smax.u32 s8, $0x1  }
0xa: {  	v0 =	vand.u32 $0x7, v2;
	v2 =	vor.u32 $0x8, v2;
	v1 =	vmul.u32 $0x8, v1;
	s8 =	simm.s32 $0x5;
	s6 =	sadd.s32 s2, s9;
	s9 =	simm.s32 $0x3  }
.LBB2_1:
0xb: {  	_ =	strace $0x80000048;
	s11 =	simm.s32 $0x2  }
0xc: {  	s12 =	simm.s32 $0x0;
	s13 =	simm.s32 $0x0;
	s14 =	simm.s32 $0x0  }
0xd: {  	[tilespmem:s4], [sflag:$0x1] =	stream.linear.gather [hbm4b:s6+s4], $0x80, $0x200038;
	[tilespmem:$0x10100] =	vst v63  }
0xe: {  	s15 =	simm.s32 $0x0;
	s16 =	simm.s32 $0x1;
	_ =	strace $0x90000048  }
.LBB2_2:
0xf: {  	s17 =	smov.u32 s12;
	s12 =	sadd.s32 $0x1, s12  }
0x10: {  	p0 =	seq.s32 s12, $0x3  }
0x11: {  	s12 =	simm.s32 @p0 $0x0  }
0x12: {  	p6 =	sne.s32 s11, $0x0;
	p1 =	sne.s32 s17, s12  }
0x13: {  	p0 =	por !p6, !p1  }
0x14: {  	p0 =	por !p0, !p0  }
0x15: {  	s18 =	sadd.s32 @p0 s5, s12  }
0x16: {  	s19 =	sand.u32 @p0 $0x1, s16;
	s18 =	sshll.u32 @p0 s18, $0x4  }
0x17: {  	_ =	strace @p0 $0x80000049;
	s21 =	simm.s32 @p0 $0x0;
	s18 =	sand.u32 @p0 $0x1FFFFFF0, s18  }
0x18: {  	s20 =	sshll.u32 @p0 s19, $0x7;
	s19 =	sadd.s32 @p0 $0x1, s19;
	s18 =	sadd.s32 @p0 s2, s18  }
0x19: {  	[tilespmem:s20], [sflag:s19] =	stream.linear.gather @p0 [hbm4b:s18+s21], $0x80, $0x200038;
	[tilespmem:$0x10100] =	vst v63  }
0x1a: {  	s24 =	sand.u32 $0x1, s15;
	_ =	strace @p0 $0x90000049  }
0x1b: {  	s18 =	sadd.s32 $0x1, s24;
	_ =	strace $0x8000004A  }
0x1c: {  	_ =	swait.ge [sflag:s18], $0x80  }
0x1d: {  	[sflag:s18] =	ssyncset.done $0x0  }
0x1e: {  	[sflag:s18] =	ssyncadd.s32 $0xFFFFFF80  }
0x1f: {  	s25 =	sshll.u32 s15, $0x7;
	_ =	strace $0x9000004A  }
0x20: {  	s21 =	sand.u32 $0x80, s25;
	_ =	strace $0x8000004B  }
0x21: {  	v3 =	vld [tilespmem:s21+$0x0];
	_ =	sdelay $0x4  }
0x22: {  	v4 =	vshll.u32 v3, $0x1  }
0x23: {  	v3 =	vand.u32 $0x7, v3;
	v4 =	vand.u32 $0xFFFFFFF0, v4  }
0x24: {  	v3 =	vor.u32 v3, v4  }
0x25: {  	v4 =	vperm.xlane v3, v0;
	_ =	sdelay $0x1  }
0x26: {  	v3 =	vperm.xlane v3, v2;
	v4 =	vadd.s32 v1, v4;
	_ =	sdelay $0x1  }
0x27: {  	s18 =	sand.u32 $0x1, s14;
	v3 =	vadd.s32 v1, v3  }
0x28: {  	s20 =	sshll.u32 s18, $0xF  }
0x29: {  	s19 =	sor.u32 $0x100, s20  }
0x2a: {  	[tilespmem:s19], [sflag:$0x5] =	stream.indirect_vreg.gather [hbm4b:s1+s4], $0x80, v4, vm0, $0x2000b8;
	[tilespmem:$0x10100] =	vst v63  }
0x2b: {  	s22 =	sor.u32 $0x900, s20  }
0x2c: {  	[tilespmem:s22], [sflag:$0x5] =	stream.indirect_vreg.gather [hbm4b:s1+s4], $0x80, v3, vm0, $0x2000b8;
	[tilespmem:$0x10100] =	vst v63  }
0x2d: {  	v3 =	vld [tilespmem:s21+$0x10];
	_ =	sdelay $0x4  }
0x2e: {  	v57 =	vshll.u32 v3, $0x1  }
0x2f: {  	v3 =	vand.u32 $0x7, v3;
	v4 =	vand.u32 $0xFFFFFFF0, v57  }
0x30: {  	v3 =	vor.u32 v3, v4  }
0x31: {  	v4 =	vperm.xlane v3, v0;
	_ =	sdelay $0x1  }
0x32: {  	v3 =	vperm.xlane v3, v2;
	v4 =	vadd.s32 v1, v4;
	_ =	sdelay $0x1  }
0x33: {  	v3 =	vadd.s32 v1, v3;
	_ =	sdelay $0x1  }
0x34: {  	s26 =	sor.u32 $0x1100, s20  }
0x35: {  	[tilespmem:s26], [sflag:$0x5] =	stream.indirect_vreg.gather [hbm4b:s1+s4], $0x80, v4, vm0, $0x2000b8;
	[tilespmem:$0x10100] =	vst v63  }
0x36: {  	s28 =	sor.u32 $0x1900, s20  }
0x37: {  	[tilespmem:s28], [sflag:$0x5] =	stream.indirect_vreg.gather [hbm4b:s1+s4], $0x80, v3, vm0, $0x2000b8;
	[tilespmem:$0x10100] =	vst v63  }
0x38: {  	v3 =	vld [tilespmem:s21+$0x20];
	_ =	sdelay $0x4  }
0x39: {  	v58 =	vshll.u32 v3, $0x1  }
0x3a: {  	v3 =	vand.u32 $0x7, v3;
	v4 =	vand.u32 $0xFFFFFFF0, v58  }
0x3b: {  	v3 =	vor.u32 v3, v4  }
0x3c: {  	v4 =	vperm.xlane v3, v0;
	_ =	sdelay $0x1  }
0x3d: {  	v3 =	vperm.xlane v3, v2;
	v4 =	vadd.s32 v1, v4;
	_ =	sdelay $0x1  }
0x3e: {  	v3 =	vadd.s32 v1, v3;
	_ =	sdelay $0x1  }
0x3f: {  	s29 =	sor.u32 $0x2100, s20  }
0x40: {  	[tilespmem:s29], [sflag:$0x5] =	stream.indirect_vreg.gather [hbm4b:s1+s4], $0x80, v4, vm0, $0x2000b8;
	[tilespmem:$0x10100] =	vst v63  }
0x41: {  	s30 =	sor.u32 $0x2900, s20  }
0x42: {  	[tilespmem:s30], [sflag:$0x5] =	stream.indirect_vreg.gather [hbm4b:s1+s4], $0x80, v3, vm0, $0x2000b8;
	[tilespmem:$0x10100] =	vst v63  }
0x43: {  	v3 =	vld [tilespmem:s21+$0x30];
	_ =	sdelay $0x4  }
0x44: {  	v59 =	vshll.u32 v3, $0x1  }
0x45: {  	v3 =	vand.u32 $0x7, v3;
	v4 =	vand.u32 $0xFFFFFFF0, v59  }
0x46: {  	v3 =	vor.u32 v3, v4  }
0x47: {  	v4 =	vperm.xlane v3, v0;
	_ =	sdelay $0x1  }
0x48: {  	v3 =	vperm.xlane v3, v2;
	v4 =	vadd.s32 v1, v4;
	_ =	sdelay $0x1  }
0x49: {  	v3 =	vadd.s32 v1, v3;
	_ =	sdelay $0x1  }
0x4a: {  	s31 =	sor.u32 $0x3100, s20  }
0x4b: {  	[tilespmem:s31], [sflag:$0x5] =	stream.indirect_vreg.gather [hbm4b:s1+s4], $0x80, v4, vm0, $0x2000b8;
	[tilespmem:$0x10100] =	vst v63  }
0x4c: {  	s23 =	sor.u32 $0x3900, s20  }
0x4d: {  	[tilespmem:s23], [sflag:$0x5] =	stream.indirect_vreg.gather [hbm4b:s1+s4], $0x80, v3, vm0, $0x2000b8;
	[tilespmem:$0x10100] =	vst v63  }
0x4e: {  	v3 =	vld [tilespmem:s21+$0x40];
	_ =	sdelay $0x4  }
0x4f: {  	v60 =	vshll.u32 v3, $0x1  }
0x50: {  	v3 =	vand.u32 $0x7, v3;
	v4 =	vand.u32 $0xFFFFFFF0, v60  }
0x51: {  	v3 =	vor.u32 v3, v4  }
0x52: {  	v4 =	vperm.xlane v3, v0;
	_ =	sdelay $0x1  }
0x53: {  	v3 =	vperm.xlane v3, v2;
	v4 =	vadd.s32 v1, v4;
	_ =	sdelay $0x1  }
0x54: {  	v3 =	vadd.s32 v1, v3;
	_ =	sdelay $0x1  }
0x55: {  	s24 =	sor.u32 $0x4100, s20  }
0x56: {  	[tilespmem:s24], [sflag:$0x5] =	stream.indirect_vreg.gather [hbm4b:s1+s4], $0x80, v4, vm0, $0x2000b8;
	[tilespmem:$0x10100] =	vst v63  }
0x57: {  	s25 =	sor.u32 $0x4900, s20  }
0x58: {  	[tilespmem:s25], [sflag:$0x5] =	stream.indirect_vreg.gather [hbm4b:s1+s4], $0x80, v3, vm0, $0x2000b8;
	[tilespmem:$0x10100] =	vst v63  }
0x59: {  	v3 =	vld [tilespmem:s21+$0x50];
	_ =	sdelay $0x4  }
0x5a: {  	v61 =	vshll.u32 v3, $0x1  }
0x5b: {  	v3 =	vand.u32 $0x7, v3;
	v4 =	vand.u32 $0xFFFFFFF0, v61  }
0x5c: {  	v3 =	vor.u32 v3, v4  }
0x5d: {  	v4 =	vperm.xlane v3, v0;
	_ =	sdelay $0x1  }
0x5e: {  	v3 =	vperm.xlane v3, v2;
	v4 =	vadd.s32 v1, v4;
	_ =	sdelay $0x1  }
0x5f: {  	v3 =	vadd.s32 v1, v3;
	_ =	sdelay $0x1  }
0x60: {  	s26 =	sor.u32 $0x5100, s20  }
0x61: {  	[tilespmem:s26], [sflag:$0x5] =	stream.indirect_vreg.gather [hbm4b:s1+s4], $0x80, v4, vm0, $0x2000b8;
	[tilespmem:$0x10100] =	vst v63  }
0x62: {  	s28 =	sor.u32 $0x5900, s20  }
0x63: {  	[tilespmem:s28], [sflag:$0x5] =	stream.indirect_vreg.gather [hbm4b:s1+s4], $0x80, v3, vm0, $0x2000b8;
	[tilespmem:$0x10100] =	vst v63  }
0x64: {  	v3 =	vld [tilespmem:s21+$0x60];
	_ =	sdelay $0x4  }
0x65: {  	v62 =	vshll.u32 v3, $0x1  }
0x66: {  	v3 =	vand.u32 $0x7, v3;
	v4 =	vand.u32 $0xFFFFFFF0, v62  }
0x67: {  	v3 =	vor.u32 v3, v4  }
0x68: {  	v4 =	vperm.xlane v3, v0;
	_ =	sdelay $0x1  }
0x69: {  	v3 =	vperm.xlane v3, v2;
	v4 =	vadd.s32 v1, v4;
	_ =	sdelay $0x1  }
0x6a: {  	v3 =	vadd.s32 v1, v3;
	_ =	sdelay $0x1  }
0x6b: {  	s29 =	sor.u32 $0x6100, s20  }
0x6c: {  	[tilespmem:s29], [sflag:$0x5] =	stream.indirect_vreg.gather [hbm4b:s1+s4], $0x80, v4, vm0, $0x2000b8;
	[tilespmem:$0x10100] =	vst v63  }
0x6d: {  	s30 =	sor.u32 $0x6900, s20  }
0x6e: {  	[tilespmem:s30], [sflag:$0x5] =	stream.indirect_vreg.gather [hbm4b:s1+s4], $0x80, v3, vm0, $0x2000b8;
	[tilespmem:$0x10100] =	vst v63  }
0x6f: {  	v3 =	vld [tilespmem:s21+$0x70];
	_ =	sdelay $0x4  }
0x70: {  	v63 =	vshll.u32 v3, $0x1  }
0x71: {  	v3 =	vand.u32 $0x7, v3;
	v4 =	vand.u32 $0xFFFFFFF0, v63  }
0x72: {  	v3 =	vor.u32 v3, v4  }
0x73: {  	v4 =	vperm.xlane v3, v0;
	_ =	sdelay $0x1  }
0x74: {  	v3 =	vperm.xlane v3, v2;
	v4 =	vadd.s32 v1, v4;
	_ =	sdelay $0x1  }
0x75: {  	v3 =	vadd.s32 v1, v3;
	_ =	sdelay $0x1  }
0x76: {  	s31 =	sor.u32 $0x7100, s20  }
0x77: {  	[tilespmem:s31], [sflag:$0x5] =	stream.indirect_vreg.gather [hbm4b:s1+s4], $0x80, v4, vm0, $0x2000b8;
	[tilespmem:$0x10100] =	vst v63  }
0x78: {  	s20 =	sor.u32 $0x7900, s20  }
0x79: {  	[tilespmem:s20], [sflag:$0x5] =	stream.indirect_vreg.gather [hbm4b:s1+s4], $0x80, v3, vm0, $0x2000b8;
	[tilespmem:$0x10100] =	vst v63  }
0x7a: {  	_ =	swait.ge [sflag:s8], $0x8000  }
0x7b: {  	p2 =	seq.s32 s11, $0x0;
	[sflag:s8] =	ssyncset.done $0x0  }
0x7c: {  	s17 =	sadd.s32 s5, s17;
	p1 =	por p2, p1;
	[sflag:s8] =	ssyncadd.s32 $0xFFFF8000  }
0x7d: {  	s17 =	sshll.u32 @p1 s17, $0xC;
	_ =	strace $0x9000004B  }
0x7e: {  	s17 =	sand.u32 @p1 $0x1FFFF000, s17;
	s21 =	simm.s32 $0x1;
	_ =	strace @p1 $0x8000004C  }
0x7f: {  	s18 =	sadd.s32 @p1 $0x3, s18;
	s21 =	simm.s32 @!p0 $0x0;
	s20 =	rddreg [dreg:$0x4]  }
0x80: {  	p0 =	seq.s32 s11, $0x2;
	s17 =	sadd.s32 @p1 s20, s17;
	s20 =	simm.s32 @p1 $0x0  }
0x81: {  	[hbm4b:s17+s20] =	stream.linear.scatter @p1 [tilespmem:s19], [sflag:s18], $0x8000, $0x200038;
	[tilespmem:$0x10100] =	vst v63  }
0x82: {  	s17 =	simm.s32 $0x1;
	s19 =	simm.s32 $0x1;
	_ =	strace @p1 $0x9000004C  }
0x83: {  	s17 =	simm.s32 @!p1 $0x0;
	p1 =	sne.s32 s11, $0x2;
	s11 =	sadd.s32 $0xFFFFFFFF, s11  }
0x84: {  	s18 =	sand.u32 @!p0 $0x1, s13;
	s19 =	simm.s32 @!p1 $0x0;
	p1 =	sne.s32 s11, $0xFFFFFFFF  }
.Ltmp0:
0x85: {  	s18 =	sadd.s32 @!p0 $0x3, s18;
	_ =	strace @!p0 $0x8000004D;
	(pc) =	sbr.rel @p1 .LBB2_2-.Ltmp0, $4  }
0x86: {  	_ =	swait.ge @!p0 [sflag:s18], $0x8000  }
0x87: {  	[sflag:s18] =	ssyncset.done @!p0 $0x0  }
0x88: {  	s16 =	sadd.s32 s21, s16;
	s14 =	sadd.s32 s17, s14;
	[sflag:s18] =	ssyncadd.s32 @!p0 $0xFFFF8000  }
0x89: {  	s15 =	sadd.s32 s17, s15;
	s13 =	sadd.s32 s19, s13;
	_ =	strace @!p0 $0x9000004D  }
0x8a: {  	s10 =	sadd.s32 $0x1, s10  }
0x8b: {  	p0 =	sne.s32 s10, s7  }
.Ltmp1:
0x8c: {  	_ =	strace $0x8000004E;
	(pc) =	sbr.rel @p0 .LBB2_1-.Ltmp1, $4  }
0x8d: {  	_ =	swait.ge [sflag:s9], $0x8000  }
0x8e: {  	[sflag:s9] =	ssyncset.done $0x0  }
0x8f: {  	[sflag:s9] =	ssyncadd.s32 $0xFFFF8000  }
0x90: {  	_ =	strace $0x9000004E  }
0x91: {  	_ =	sfence.sel $0x180000  }
0x92: {  	[bflag:$0x0] =	sbarrier.arrive $0xFFFF  }
0x93: {  	p0 =	sne.s32 s3, $0x0;
	_ =	strace $0x90000047  }
0x94: {  	s0 =	sadd.s32 @!p0 $0x100000, s0;
	[bflag:$0x2] =	sbarrier.arrive $0xFFFF  }
0x95: {  	[sflag:s0] =	ssyncadd.tile.s32 @!p0 $0x1;
	_ =	shalt  }
.Lfunc_end2:
_tile_overlayer_lowered:
.L_overlay_start_2:
0x96: {  	(tag) =	ssettag $0x2  }
0x97: {  	s0 =	rddreg [dreg:$0x0];
	s2 =	stileid.u32  }
0x98: {  	s1 =	rddreg [dreg:$0x1];
	p0 =	sne.s32 s2, $0x0  }
0x99: {  	s3 =	rddreg [dreg:$0x2];
	[bflag:$0x3] =	sbarrier.arrive $0xFFFF;
	s2 =	simm.s32 @!p0 $0x1C01  }
0x9a: {  	[timem:s3], [sflag:s2] =	dma.local @!p0 [hbm:s0], s1  }
0x9b: {  	s0 =	simm.s32 @!p0 $0x1  }
0x9c: {  	_ =	swait.ge @!p0 [sflag:s0], s1  }
0x9d: {  	s1 =	ssub.s32 @!p0 $0x0, s1;
	[sflag:s0] =	ssyncset.done @!p0 $0x0  }
0x9e: {  	[sflag:s0] =	ssyncadd.s32 @!p0 s1  }
0x9f: {  	[bflag:$0x3] =	sbarrier.arrive $0xFFFF  }
0xa0: {  	_ =	shalt  }

</sc_bundles>
